<compile_context>
chip_gen: v7x
topology: tpu7x:2x2x1
jax: 0.10.2.dev20260603
libtpu: 0.0.44.dev20260713+nightly
codegen_flags: <defaults>
</compile_context>

<pallas_src>
import jax
import jax.numpy as jnp
from jax import lax
from jax.experimental import pallas as pl
from jax.experimental.pallas import tpu as pltpu
from jax.experimental.pallas import tpu_sc as plsc

V = 50000
NROWS = 442368
FDIM = 128
NC, NS = 2, 16
NW = NC * NS
S = NROWS // NW
ZR = 54
QROWS = NS * ZR
NZQ = S // QROWS
ZPRE = 16
CH = 2000
NCH = V // CH
NPAIR = (NCH + 1) // 2
K = 128
NFMAX = S // K
D = 2
L = 16
RPAD = 4096
TROWS = 4224
RSHIFT = 12


def _body(cidx_hbm, rid_hbm, table_hbm, out_hbm,
          winner, cbig, rbig, cca, cra, ccb, crb,
          cbs, rows, zbuf, zshared, tshared,
          sem_ca, sem_cb, sems_g, sems_s, sem_z):
    cid = lax.axis_index("c")
    sid = lax.axis_index("s")
    wid = sid * NC + cid
    base = wid * S
    iota = lax.iota(jnp.int32, L)
    zeros16 = jnp.zeros((L,), jnp.float32)

    def zrow(i, _):
        for k in range(FDIM // L):
            zbuf[i, pl.ds(k * L, L)] = zeros16
        return 0
    lax.fori_loop(0, ZR, zrow, 0)
    pltpu.sync_copy(zbuf, zshared.at[pl.ds(sid * ZR, ZR)])
    tpr = TROWS // NS
    pltpu.sync_copy(table_hbm.at[pl.ds(sid * tpr, tpr)],
                    tshared.at[pl.ds(sid * tpr, tpr)])
    plsc.subcore_barrier()

    def zissue(zi, upto):
        def cond(z):
            return z < upto
        def step(z):
            pltpu.async_copy(zshared,
                             out_hbm.at[pl.ds(base + z * QROWS, QROWS)],
                             sem_z)
            return z + 1
        return lax.while_loop(cond, step, zi)

    def zdrain(d0, needed):
        def cond(dd):
            return dd < needed
        def step(dd):
            pltpu.make_async_copy(
                zshared, out_hbm.at[pl.ds(base + dd * QROWS, QROWS)],
                sem_z).wait()
            return dd + 1
        return lax.while_loop(cond, step, d0)

    zi = zissue(0, ZPRE)

    neg1 = jnp.full((L,), -1, jnp.int32)
    def winit(i, _):
        winner[pl.ds(i * L, L)] = neg1
        return 0
    lax.fori_loop(0, S // L, winit, 0)

    def cstart(t, cc, cr, sem):
        pltpu.async_copy(cidx_hbm.at[pl.ds(t * CH, CH)], cc, sem)
        pltpu.async_copy(rid_hbm.at[pl.ds(t * CH, CH)], cr, sem)

    def cwait(t, cc, cr, sem):
        pltpu.make_async_copy(cidx_hbm.at[pl.ds(t * CH, CH)], cc, sem).wait()
        pltpu.make_async_copy(rid_hbm.at[pl.ds(t * CH, CH)], cr, sem).wait()

    def wvec(c0, j, cc, cr):
        c = cc[pl.ds(j * L, L)]
        r = cr[pl.ds(j * L, L)]
        v = c0 + j * L + iota
        crel = c - base
        m = (crel >= 0) & (crel < S)
        packed = (v << RSHIFT) | r
        plsc.store_scatter(winner, [jnp.clip(crel, 0, S - 1)], packed,
                           mask=m)

    def process(t, cc, cr):
        c0 = t * CH
        def inner2(jj, _):
            wvec(c0, 2 * jj, cc, cr)
            wvec(c0, 2 * jj + 1, cc, cr)
            return 0
        lax.fori_loop(0, (CH // L) // 2, inner2, 0)
        if (CH // L) % 2:
            wvec(c0, CH // L - 1, cc, cr)

    cstart(0, cca, cra, sem_ca)
    def wpair(g, _):
        t0 = 2 * g
        t1 = t0 + 1
        t2 = t0 + 2
        @pl.when(t1 < NCH)
        def _():
            cstart(t1, ccb, crb, sem_cb)
        cwait(t0, cca, cra, sem_ca)
        process(t0, cca, cra)
        @pl.when(t2 < NCH)
        def _():
            cstart(t2, cca, cra, sem_ca)
        @pl.when(t1 < NCH)
        def _():
            cwait(t1, ccb, crb, sem_cb)
            process(t1, ccb, crb)
        return 0
    lax.fori_loop(0, NPAIR, wpair, 0)

    big = jnp.full((L,), S, jnp.int32)
    def scan(i, carry):
        cnt, ffzvec = carry
        w = winner[pl.ds(i * L, L)]
        m = w >= 0
        idxv = i * L + iota
        plsc.store_compressed(cbig.at[pl.ds(cnt, L)], base + idxv, mask=m)
        plsc.store_compressed(rbig.at[pl.ds(cnt, L)], w & (RPAD - 1), mask=m)
        cnt = cnt + jnp.sum(m.astype(jnp.int32))
        ffzvec = jnp.minimum(ffzvec, jnp.where(m, big, idxv))
        return cnt, ffzvec
    cnt, ffzvec = lax.fori_loop(0, S // L, scan, (0, big))
    ffz = jnp.min(ffzvec)
    ffz = jnp.where(ffz >= S, 0, ffz)

    padc = (base + ffz) + jnp.zeros((L,), jnp.int32)
    padr = jnp.full((L,), RPAD, jnp.int32)
    def ptail(buf, n, val):
        t0 = (n // L) * L
        def pt(k, _):
            idxv = t0 + k * L + iota
            m = (idxv >= n) & (idxv < S)
            plsc.store_scatter(buf, [jnp.clip(idxv, 0, S - 1)], val, mask=m)
            return 0
        lax.fori_loop(0, K // L, pt, 0)
    ptail(cbig, cnt, padc)
    ptail(rbig, cnt, padr)

    nf = (cnt + K - 1) // K

    def idxcopy(f, src, dst):
        def cp(k, _):
            dst[pl.ds(k * L, L)] = src[pl.ds(f * K + k * L, L)]
            return 0
        lax.fori_loop(0, K // L, cp, 0)

    def gate(f):
        pos = jnp.full((L,), 0, jnp.int32) + (f * K + K - 1)
        maxrow = jnp.max(plsc.load_gather(cbig, [pos])) - base
        return jnp.where(f < nf,
                         jnp.where(f == nf - 1, NZQ, maxrow // QROWS + 1), 0)

    def ring(g, carry):
        d0 = carry
        for b in range(D):
            f = D * g + b
            @pl.when((f < nf) & (f >= D))
            def _():
                pltpu.make_async_copy(rows.at[b], out_hbm.at[cbs.at[b]],
                                      sems_s.at[b]).wait()
            @pl.when(f < nf)
            def _():
                idxcopy(f, cbig, cbs.at[b])
                pltpu.async_copy(tshared.at[rbig.at[pl.ds(f * K, K)]],
                                 rows.at[b], sems_g.at[b])
        for b in range(D):
            f = D * g + b
            gf = gate(f)
            d0 = zdrain(d0, gf)
            @pl.when(f < nf)
            def _():
                pltpu.make_async_copy(
                    tshared.at[rbig.at[pl.ds(0, K)]], rows.at[b],
                    sems_g.at[b]).wait()
                pltpu.async_copy(rows.at[b], out_hbm.at[cbs.at[b]],
                                 sems_s.at[b])
        return d0
    d0 = lax.fori_loop(0, (NFMAX + D - 1) // D, ring, 0)

    for b in range(D):
        @pl.when(nf > b)
        def _():
            pltpu.make_async_copy(rows.at[b], out_hbm.at[cbs.at[b]],
                                  sems_s.at[b]).wait()
    d0 = zdrain(d0, NZQ)


@jax.jit
def _voxel_grid(cidx, rid, table):
    mesh = plsc.VectorSubcoreMesh(core_axis_name="c", subcore_axis_name="s",
                                  num_cores=NC, num_subcores=NS)
    f = pl.kernel(
        _body,
        out_type=jax.ShapeDtypeStruct((NROWS, FDIM), jnp.float32),
        mesh=mesh,
        compiler_params=pltpu.CompilerParams(needs_layout_passes=False),
        scratch_types=[
            pltpu.VMEM((S,), jnp.int32),
            pltpu.VMEM((S,), jnp.int32),
            pltpu.VMEM((S,), jnp.int32),
            pltpu.VMEM((CH,), jnp.int32),
            pltpu.VMEM((CH,), jnp.int32),
            pltpu.VMEM((CH,), jnp.int32),
            pltpu.VMEM((CH,), jnp.int32),
            pltpu.VMEM((D, K), jnp.int32),
            pltpu.VMEM((D, K, FDIM), jnp.float32),
            pltpu.VMEM((ZR, FDIM), jnp.float32),
            pltpu.VMEM_SHARED((QROWS, FDIM), jnp.float32),
            pltpu.VMEM_SHARED((TROWS, FDIM), jnp.float32),
            pltpu.SemaphoreType.DMA,
            pltpu.SemaphoreType.DMA,
            pltpu.SemaphoreType.DMA((D,)),
            pltpu.SemaphoreType.DMA((D,)),
            pltpu.SemaphoreType.DMA,
        ],
    )
    return f(cidx, rid, table)


def kernel(voxels_argmax_centerIdx, voxels_argmax_batchResIds0Based,
           prot_feats0based, prot_multizProfiles, voxelFeats_proteinBatch):
    orig_shape = voxelFeats_proteinBatch.shape
    cidx = voxels_argmax_centerIdx.astype(jnp.int32)
    rid = voxels_argmax_batchResIds0Based.astype(jnp.int32)
    table = jnp.concatenate([prot_feats0based, prot_multizProfiles], axis=1)
    table = jnp.concatenate(
        [table, jnp.zeros((TROWS - RPAD, FDIM), jnp.float32)], axis=0)
    out = _voxel_grid(cidx, rid, table)
    return out.reshape(orig_shape)

# --- scband reference (transcript-rebuilt; emitter-appended) ---
"""Pipeline reference for scband-voxel-featurization-58531814310355 (READ-ONLY COPY).

The authoritative reference and input builder live on the scoring server;
editing this copy changes nothing except your own understanding.
"""

import jax, jax.numpy as jnp
import numpy as np


def setup_inputs(seed: int = 0) -> dict:
    key = jax.random.key(seed)
    k1, k2, k3, k4 = jax.random.split(key, 4)
    V = 50000
    R = 4096
    B = 4
    G3 = 110592  # 48^3
    D_RES = 64
    D_MZ = 64
    F = D_RES + D_MZ
    voxels_argmax_centerIdx = jax.random.randint(k1, (V,), 0, B * G3, dtype=jnp.int64) if jax.config.jax_enable_x64 else jax.random.randint(k1, (V,), 0, B * G3).astype(jnp.int32)
    voxels_argmax_batchResIds0Based = jax.random.randint(k2, (V,), 0, R).astype(voxels_argmax_centerIdx.dtype)
    prot_feats0based = jax.random.normal(k3, (R, D_RES), dtype=jnp.float32)
    prot_multizProfiles = jax.random.normal(k4, (R, D_MZ), dtype=jnp.float32)
    voxelFeats_proteinBatch = jnp.zeros((B, G3, F), dtype=jnp.float32)
    return {
        "voxels_argmax_centerIdx": voxels_argmax_centerIdx,
        "voxels_argmax_batchResIds0Based": voxels_argmax_batchResIds0Based,
        "prot_feats0based": prot_feats0based,
        "prot_multizProfiles": prot_multizProfiles,
        "voxelFeats_proteinBatch": voxelFeats_proteinBatch,
    }


def reference(voxels_argmax_centerIdx, voxels_argmax_batchResIds0Based, prot_feats0based, prot_multizProfiles, voxelFeats_proteinBatch):
    # Faithful translation of VoxelFeaturization.featurizeVoxelGrid with input_doMultiz=True
    orig_shape = voxelFeats_proteinBatch.shape
    F = orig_shape[-1]
    flat = voxelFeats_proteinBatch.reshape(-1, F)
    # gather residue features for each occupied voxel
    dense_residueFeats = prot_feats0based[voxels_argmax_batchResIds0Based, :]
    residueFeatsEndIdx = dense_residueFeats.shape[1]
    # scatter-overwrite residue feats into voxel channels [0, d_res)
    flat = flat.at[voxels_argmax_centerIdx, 0:residueFeatsEndIdx].set(dense_residueFeats)
    # multiz branch (input_doMultiz == True)
    mz = prot_multizProfiles[voxels_argmax_batchResIds0Based, :]
    multizFeatsStartIdx = residueFeatsEndIdx
    multizFeatsEndIdx = multizFeatsStartIdx + mz.shape[1]
    flat = flat.at[voxels_argmax_centerIdx, multizFeatsStartIdx:multizFeatsEndIdx].set(mz)
    return flat.reshape(orig_shape)

if __name__ == "__main__":
    import jax
    _d = setup_inputs()
    print(jax.jit(kernel)(*tuple(_d.values())))

</pallas_src>

<mosaic_0001>
#map = affine_map<(d0, d1) -> (0)>
#map1 = affine_map<(d0, d1) -> (0, 0)>
module attributes {stable_mosaic.version = 14 : i64} {
  func.func @_body(%arg0: i32, %arg1: i32, %arg2: memref<50000xi32, #tpu.memory_space<hbm>>, %arg3: memref<50000xi32, #tpu.memory_space<hbm>>, %arg4: memref<4224x128xf32, #tpu.memory_space<hbm>>, %arg5: memref<442368x128xf32, #tpu.memory_space<hbm>>, %arg6: memref<13824xi32, #tpu.memory_space<vmem>>, %arg7: memref<13824xi32, #tpu.memory_space<vmem>>, %arg8: memref<13824xi32, #tpu.memory_space<vmem>>, %arg9: memref<2000xi32, #tpu.memory_space<vmem>>, %arg10: memref<2000xi32, #tpu.memory_space<vmem>>, %arg11: memref<2000xi32, #tpu.memory_space<vmem>>, %arg12: memref<2000xi32, #tpu.memory_space<vmem>>, %arg13: memref<2x128xi32, #tpu.memory_space<vmem>>, %arg14: memref<2x128x128xf32, #tpu.memory_space<vmem>>, %arg15: memref<54x128xf32, #tpu.memory_space<vmem>>, %arg16: memref<864x128xf32, #tpu.memory_space<vmem_shared>>, %arg17: memref<4224x128xf32, #tpu.memory_space<vmem_shared>>, %arg18: memref<!tpu.dma_semaphore, #tpu.memory_space<semaphore_mem>>, %arg19: memref<!tpu.dma_semaphore, #tpu.memory_space<semaphore_mem>>, %arg20: memref<2x!tpu.dma_semaphore, #tpu.memory_space<semaphore_mem>>, %arg21: memref<2x!tpu.dma_semaphore, #tpu.memory_space<semaphore_mem>>, %arg22: memref<!tpu.dma_semaphore, #tpu.memory_space<semaphore_mem>>) attributes {dimension_semantics = [#tpu.dimension_semantics<core_parallel>, #tpu.dimension_semantics<subcore_parallel>], iteration_bounds = array<i64: 2, 16>, scalar_prefetch = 0 : i64, scratch_operands = 17 : i64, tpu.core_type = #tpu.core_type<sc_vector_subcore>, window_params = [{transform_indices = #map}, {transform_indices = #map}, {transform_indices = #map1}, {transform_indices = #map1}]} {
    %mul3A = arith.constant 2 : i32
    %mul3A_0 = arith.muli %arg1, %mul3A : i32
    %add3A = arith.addi %mul3A_0, %arg0 : i32
    %mul3A_1 = arith.constant 13824 : i32
    %mul3A_2 = arith.muli %add3A, %mul3A_1 : i32
    %iota3A = tpu.iota {dimensions = array<i32: 0>} : vector<16xi32>
    %broadcast_in_dim3A = arith.constant 0.000000e+00 : f32
    %broadcast_in_dim3A_3 = vector.broadcast %broadcast_in_dim3A : f32 to vector<16xf32>
    %scan3A = arith.constant 0 : i32
    %scan3A_4 = arith.constant 0 : i32
    %scan3A_5 = arith.constant 54 : i32
    %scan3A_6 = arith.addi %scan3A_4, %scan3A_5 : i32
    %scan3A_7 = arith.constant 1 : i32
    %scan3A_8 = scf.for %scan3A_167 = %scan3A_4 to %scan3A_6 step %scan3A_7 iter_args(%scan3A_168 = %scan3A) -> (i32)  : i32 {
      %swap3A = arith.index_cast %scan3A_167 : i32 to index
      %swap3A_169 = arith.constant 0 : index
      %swap3A_170 = tpu.vector_load %arg15[%swap3A, %swap3A_169] {strides = array<i32>} : memref<54x128xf32, #tpu.memory_space<vmem>>, vector<16xf32>,
      tpu.vector_store %arg15[%swap3A, %swap3A_169], %broadcast_in_dim3A_3 {strides = array<i32>} : memref<54x128xf32, #tpu.memory_space<vmem>>, vector<16xf32>,
      %swap3A_171 = arith.index_cast %scan3A_167 : i32 to index
      %swap3A_172 = arith.constant 16 : index
      %swap3A_173 = tpu.vector_load %arg15[%swap3A_171, %swap3A_172] {strides = array<i32>} : memref<54x128xf32, #tpu.memory_space<vmem>>, vector<16xf32>,
      tpu.vector_store %arg15[%swap3A_171, %swap3A_172], %broadcast_in_dim3A_3 {strides = array<i32>} : memref<54x128xf32, #tpu.memory_space<vmem>>, vector<16xf32>,
      %swap3A_174 = arith.index_cast %scan3A_167 : i32 to index
      %swap3A_175 = arith.constant 32 : index
      %swap3A_176 = tpu.vector_load %arg15[%swap3A_174, %swap3A_175] {strides = array<i32>} : memref<54x128xf32, #tpu.memory_space<vmem>>, vector<16xf32>,
      tpu.vector_store %arg15[%swap3A_174, %swap3A_175], %broadcast_in_dim3A_3 {strides = array<i32>} : memref<54x128xf32, #tpu.memory_space<vmem>>, vector<16xf32>,
      %swap3A_177 = arith.index_cast %scan3A_167 : i32 to index
      %swap3A_178 = arith.constant 48 : index
      %swap3A_179 = tpu.vector_load %arg15[%swap3A_177, %swap3A_178] {strides = array<i32>} : memref<54x128xf32, #tpu.memory_space<vmem>>, vector<16xf32>,
      tpu.vector_store %arg15[%swap3A_177, %swap3A_178], %broadcast_in_dim3A_3 {strides = array<i32>} : memref<54x128xf32, #tpu.memory_space<vmem>>, vector<16xf32>,
      %swap3A_180 = arith.index_cast %scan3A_167 : i32 to index
      %swap3A_181 = arith.constant 64 : index
      %swap3A_182 = tpu.vector_load %arg15[%swap3A_180, %swap3A_181] {strides = array<i32>} : memref<54x128xf32, #tpu.memory_space<vmem>>, vector<16xf32>,
      tpu.vector_store %arg15[%swap3A_180, %swap3A_181], %broadcast_in_dim3A_3 {strides = array<i32>} : memref<54x128xf32, #tpu.memory_space<vmem>>, vector<16xf32>,
      %swap3A_183 = arith.index_cast %scan3A_167 : i32 to index
      %swap3A_184 = arith.constant 80 : index
      %swap3A_185 = tpu.vector_load %arg15[%swap3A_183, %swap3A_184] {strides = array<i32>} : memref<54x128xf32, #tpu.memory_space<vmem>>, vector<16xf32>,
      tpu.vector_store %arg15[%swap3A_183, %swap3A_184], %broadcast_in_dim3A_3 {strides = array<i32>} : memref<54x128xf32, #tpu.memory_space<vmem>>, vector<16xf32>,
      %swap3A_186 = arith.index_cast %scan3A_167 : i32 to index
      %swap3A_187 = arith.constant 96 : index
      %swap3A_188 = tpu.vector_load %arg15[%swap3A_186, %swap3A_187] {strides = array<i32>} : memref<54x128xf32, #tpu.memory_space<vmem>>, vector<16xf32>,
      tpu.vector_store %arg15[%swap3A_186, %swap3A_187], %broadcast_in_dim3A_3 {strides = array<i32>} : memref<54x128xf32, #tpu.memory_space<vmem>>, vector<16xf32>,
      %swap3A_189 = arith.index_cast %scan3A_167 : i32 to index
      %swap3A_190 = arith.constant 112 : index
      %swap3A_191 = tpu.vector_load %arg15[%swap3A_189, %swap3A_190] {strides = array<i32>} : memref<54x128xf32, #tpu.memory_space<vmem>>, vector<16xf32>,
      tpu.vector_store %arg15[%swap3A_189, %swap3A_190], %broadcast_in_dim3A_3 {strides = array<i32>} : memref<54x128xf32, #tpu.memory_space<vmem>>, vector<16xf32>,
      %scan3A_192 = arith.constant 0 : i32
      scf.yield %scan3A_192 : i32
    }
    %scan3A_9 = arith.constant 54 : i32
    %mul3A_10 = arith.constant 54 : i32
    %mul3A_11 = arith.muli %arg1, %mul3A_10 : i32
    "tpu.region"() ({
      %run_scoped3A = tpu.sem_alloc : memref<!tpu.dma_semaphore, #tpu.memory_space<semaphore_mem>>
      %dma_start3A_167 = arith.constant 0 : i32
      %dma_start3A_168 = tpu.memref_slice %arg16[%mul3A_11, %dma_start3A_167] : memref<864x128xf32, #tpu.memory_space<vmem_shared>> -> memref<54x128xf32, #tpu.memory_space<vmem_shared>>
      %dma_start3A_169 = arith.constant 0 : i32
      %dma_start3A_170 = tpu.memref_slice %arg16[%mul3A_11, %dma_start3A_169] : memref<864x128xf32, #tpu.memory_space<vmem_shared>> -> memref<54x128xf32, #tpu.memory_space<vmem_shared>>
      tpu.enqueue_dma source(%arg15 : memref<54x128xf32, #tpu.memory_space<vmem>>) target(%dma_start3A_170 : memref<54x128xf32, #tpu.memory_space<vmem_shared>>) target_semaphore(%run_scoped3A : memref<!tpu.dma_semaphore, #tpu.memory_space<semaphore_mem>>)
      %dma_wait3A = arith.constant 0 : i32
      %dma_wait3A_171 = tpu.memref_slice %arg16[%mul3A_11, %dma_wait3A] : memref<864x128xf32, #tpu.memory_space<vmem_shared>> -> memref<54x128xf32, #tpu.memory_space<vmem_shared>>
      %dma_wait3A_172 = arith.constant 0 : i32
      %dma_wait3A_173 = tpu.memref_slice %arg16[%mul3A_11, %dma_wait3A_172] : memref<864x128xf32, #tpu.memory_space<vmem_shared>> -> memref<54x128xf32, #tpu.memory_space<vmem_shared>>
      tpu.wait_dma2 semaphore(%run_scoped3A : memref<!tpu.dma_semaphore, #tpu.memory_space<semaphore_mem>>) src(%arg15 : memref<54x128xf32, #tpu.memory_space<vmem>>) dst(%dma_wait3A_173 : memref<54x128xf32, #tpu.memory_space<vmem_shared>>)
      tpu.yield
    }) : () -> ()
    %mul3A_12 = arith.constant 264 : i32
    %mul3A_13 = arith.muli %arg1, %mul3A_12 : i32
    %mul3A_14 = arith.constant 264 : i32
    %mul3A_15 = arith.muli %arg1, %mul3A_14 : i32
    "tpu.region"() ({
      %run_scoped3A = tpu.sem_alloc : memref<!tpu.dma_semaphore, #tpu.memory_space<semaphore_mem>>
      %dma_start3A_167 = arith.constant 0 : i32
      %dma_start3A_168 = tpu.memref_slice %arg17[%mul3A_15, %dma_start3A_167] : memref<4224x128xf32, #tpu.memory_space<vmem_shared>> -> memref<264x128xf32, #tpu.memory_space<vmem_shared>>
      %dma_start3A_169 = arith.constant 0 : i32
      %dma_start3A_170 = tpu.memref_slice %arg4[%mul3A_13, %dma_start3A_169] : memref<4224x128xf32, #tpu.memory_space<hbm>> -> memref<264x128xf32, #tpu.memory_space<hbm>>
      tpu.enqueue_dma source(%dma_start3A_170 : memref<264x128xf32, #tpu.memory_space<hbm>>) target(%dma_start3A_168 : memref<264x128xf32, #tpu.memory_space<vmem_shared>>) target_semaphore(%run_scoped3A : memref<!tpu.dma_semaphore, #tpu.memory_space<semaphore_mem>>)
      %dma_wait3A = arith.constant 0 : i32
      %dma_wait3A_171 = tpu.memref_slice %arg17[%mul3A_15, %dma_wait3A] : memref<4224x128xf32, #tpu.memory_space<vmem_shared>> -> memref<264x128xf32, #tpu.memory_space<vmem_shared>>
      %dma_wait3A_172 = arith.constant 0 : i32
      %dma_wait3A_173 = tpu.memref_slice %arg4[%mul3A_13, %dma_wait3A_172] : memref<4224x128xf32, #tpu.memory_space<hbm>> -> memref<264x128xf32, #tpu.memory_space<hbm>>
      tpu.wait_dma2 semaphore(%run_scoped3A : memref<!tpu.dma_semaphore, #tpu.memory_space<semaphore_mem>>) src(%dma_wait3A_173 : memref<264x128xf32, #tpu.memory_space<hbm>>) dst(%dma_wait3A_171 : memref<264x128xf32, #tpu.memory_space<vmem_shared>>)
      tpu.yield
    }) : () -> ()
    %barrier3A = arith.constant 0 : index
    tpu.barrier barrier_id(%barrier3A)
    %while3A = arith.constant 0 : i32
    %while3A_16 = scf.while (%while3A_167 = %while3A) : (i32) -> i32 {
      %lt3A = arith.constant 16 : i32
      %lt3A_168 = arith.cmpi slt, %while3A_167, %lt3A : i32
      scf.condition(%lt3A_168) %while3A_167 : i32
    } do {
    ^bb0(%while3A_167: i32):
      %mul3A_168 = arith.constant 864 : i32
      %mul3A_169 = arith.muli %while3A_167, %mul3A_168 : i32
      %add3A_170 = arith.addi %mul3A_2, %mul3A_169 : i32
      %dma_start3A_171 = arith.constant 0 : i32
      %dma_start3A_172 = tpu.memref_slice %arg5[%add3A_170, %dma_start3A_171] : memref<442368x128xf32, #tpu.memory_space<hbm>> -> memref<864x128xf32, #tpu.memory_space<hbm>>
      tpu.enqueue_dma source(%arg16 : memref<864x128xf32, #tpu.memory_space<vmem_shared>>) target(%dma_start3A_172 : memref<864x128xf32, #tpu.memory_space<hbm>>) target_semaphore(%arg22 : memref<!tpu.dma_semaphore, #tpu.memory_space<semaphore_mem>>)
      %add3A_173 = arith.constant 1 : i32
      %add3A_174 = arith.addi %while3A_167, %add3A_173 : i32
      scf.yield %add3A_174 : i32
    }
    %broadcast_in_dim3A_17 = arith.constant -1 : i32
    %broadcast_in_dim3A_18 = vector.broadcast %broadcast_in_dim3A_17 : i32 to vector<16xi32>
    %scan3A_19 = arith.constant 0 : i32
    %scan3A_20 = arith.constant 0 : i32
    %scan3A_21 = arith.constant 864 : i32
    %scan3A_22 = arith.addi %scan3A_20, %scan3A_21 : i32
    %scan3A_23 = arith.constant 1 : i32
    %scan3A_24 = scf.for %scan3A_167 = %scan3A_20 to %scan3A_22 step %scan3A_23 iter_args(%scan3A_168 = %scan3A_19) -> (i32)  : i32 {
      %mul3A_169 = arith.constant 16 : i32
      %mul3A_170 = arith.muli %scan3A_167, %mul3A_169 : i32
      %swap3A = arith.index_cast %mul3A_170 : i32 to index
      %swap3A_171 = tpu.vector_load %arg6[%swap3A] {strides = array<i32>} : memref<13824xi32, #tpu.memory_space<vmem>>, vector<16xi32>,
      tpu.vector_store %arg6[%swap3A], %broadcast_in_dim3A_18 {strides = array<i32>} : memref<13824xi32, #tpu.memory_space<vmem>>, vector<16xi32>,
      %scan3A_172 = arith.constant 0 : i32
      scf.yield %scan3A_172 : i32
    }
    %scan3A_25 = arith.constant 864 : i32
    %dma_start3A = arith.constant 0 : i32
    %dma_start3A_26 = tpu.memref_slice %arg2[%dma_start3A] : memref<50000xi32, #tpu.memory_space<hbm>> -> memref<2000xi32, #tpu.memory_space<hbm>>
    %dma_start3A_27 = arith.constant 0 : i32
    %dma_start3A_28 = tpu.memref_slice %arg2[%dma_start3A_27] : memref<50000xi32, #tpu.memory_space<hbm>> -> memref<2000xi32, #tpu.memory_space<hbm>>
    tpu.enqueue_dma source(%dma_start3A_28 : memref<2000xi32, #tpu.memory_space<hbm>>) target(%arg9 : memref<2000xi32, #tpu.memory_space<vmem>>) target_semaphore(%arg18 : memref<!tpu.dma_semaphore, #tpu.memory_space<semaphore_mem>>)
    %dma_start3A_29 = arith.constant 0 : i32
    %dma_start3A_30 = tpu.memref_slice %arg3[%dma_start3A_29] : memref<50000xi32, #tpu.memory_space<hbm>> -> memref<2000xi32, #tpu.memory_space<hbm>>
    %dma_start3A_31 = arith.constant 0 : i32
    %dma_start3A_32 = tpu.memref_slice %arg3[%dma_start3A_31] : memref<50000xi32, #tpu.memory_space<hbm>> -> memref<2000xi32, #tpu.memory_space<hbm>>
    tpu.enqueue_dma source(%dma_start3A_32 : memref<2000xi32, #tpu.memory_space<hbm>>) target(%arg10 : memref<2000xi32, #tpu.memory_space<vmem>>) target_semaphore(%arg18 : memref<!tpu.dma_semaphore, #tpu.memory_space<semaphore_mem>>)
    %scan3A_33 = arith.constant 0 : i32
    %scan3A_34 = arith.constant 0 : i32
    %scan3A_35 = arith.constant 13 : i32
    %scan3A_36 = arith.addi %scan3A_34, %scan3A_35 : i32
    %scan3A_37 = arith.constant 1 : i32
    %scan3A_38 = scf.for %scan3A_167 = %scan3A_34 to %scan3A_36 step %scan3A_37 iter_args(%scan3A_168 = %scan3A_33) -> (i32)  : i32 {
      %mul3A_169 = arith.constant 2 : i32
      %mul3A_170 = arith.muli %mul3A_169, %scan3A_167 : i32
      %add3A_171 = arith.constant 1 : i32
      %add3A_172 = arith.addi %mul3A_170, %add3A_171 : i32
      %add3A_173 = arith.constant 2 : i32
      %add3A_174 = arith.addi %mul3A_170, %add3A_173 : i32
      %lt3A = arith.constant 25 : i32
      %lt3A_175 = arith.cmpi slt, %add3A_172, %lt3A : i32
      %convert_element_type3A_176 = arith.extui %lt3A_175 : i1 to i32
      %cond3A_177 = arith.constant 0 : i32
      %cond3A_178 = arith.cmpi ne, %convert_element_type3A_176, %cond3A_177 : i32
      scf.if %cond3A_178 {
        %mul3A_228 = arith.constant 2000 : i32
        %mul3A_229 = arith.muli %add3A_172, %mul3A_228 : i32
        %dma_start3A_230 = tpu.memref_slice %arg2[%mul3A_229] : memref<50000xi32, #tpu.memory_space<hbm>> -> memref<2000xi32, #tpu.memory_space<hbm>>
        %dma_start3A_231 = tpu.memref_slice %arg2[%mul3A_229] : memref<50000xi32, #tpu.memory_space<hbm>> -> memref<2000xi32, #tpu.memory_space<hbm>>
        tpu.enqueue_dma source(%dma_start3A_231 : memref<2000xi32, #tpu.memory_space<hbm>>) target(%arg11 : memref<2000xi32, #tpu.memory_space<vmem>>) target_semaphore(%arg19 : memref<!tpu.dma_semaphore, #tpu.memory_space<semaphore_mem>>)
        %mul3A_232 = arith.constant 2000 : i32
        %mul3A_233 = arith.muli %add3A_172, %mul3A_232 : i32
        %dma_start3A_234 = tpu.memref_slice %arg3[%mul3A_233] : memref<50000xi32, #tpu.memory_space<hbm>> -> memref<2000xi32, #tpu.memory_space<hbm>>
        %dma_start3A_235 = tpu.memref_slice %arg3[%mul3A_233] : memref<50000xi32, #tpu.memory_space<hbm>> -> memref<2000xi32, #tpu.memory_space<hbm>>
        tpu.enqueue_dma source(%dma_start3A_235 : memref<2000xi32, #tpu.memory_space<hbm>>) target(%arg12 : memref<2000xi32, #tpu.memory_space<vmem>>) target_semaphore(%arg19 : memref<!tpu.dma_semaphore, #tpu.memory_space<semaphore_mem>>)
      } else {
      }
      %mul3A_179 = arith.constant 2000 : i32
      %mul3A_180 = arith.muli %mul3A_170, %mul3A_179 : i32
      %dma_wait3A = tpu.memref_slice %arg2[%mul3A_180] : memref<50000xi32, #tpu.memory_space<hbm>> -> memref<2000xi32, #tpu.memory_space<hbm>>
      %dma_wait3A_181 = tpu.memref_slice %arg2[%mul3A_180] : memref<50000xi32, #tpu.memory_space<hbm>> -> memref<2000xi32, #tpu.memory_space<hbm>>
      tpu.wait_dma2 semaphore(%arg18 : memref<!tpu.dma_semaphore, #tpu.memory_space<semaphore_mem>>) src(%dma_wait3A_181 : memref<2000xi32, #tpu.memory_space<hbm>>) dst(%arg9 : memref<2000xi32, #tpu.memory_space<vmem>>)
      %mul3A_182 = arith.constant 2000 : i32
      %mul3A_183 = arith.muli %mul3A_170, %mul3A_182 : i32
      %dma_wait3A_184 = tpu.memref_slice %arg3[%mul3A_183] : memref<50000xi32, #tpu.memory_space<hbm>> -> memref<2000xi32, #tpu.memory_space<hbm>>
      %dma_wait3A_185 = tpu.memref_slice %arg3[%mul3A_183] : memref<50000xi32, #tpu.memory_space<hbm>> -> memref<2000xi32, #tpu.memory_space<hbm>>
      tpu.wait_dma2 semaphore(%arg18 : memref<!tpu.dma_semaphore, #tpu.memory_space<semaphore_mem>>) src(%dma_wait3A_185 : memref<2000xi32, #tpu.memory_space<hbm>>) dst(%arg10 : memref<2000xi32, #tpu.memory_space<vmem>>)
      %mul3A_186 = arith.constant 2000 : i32
      %mul3A_187 = arith.muli %mul3A_170, %mul3A_186 : i32
      %scan3A_188 = arith.constant 0 : i32
      %scan3A_189 = arith.constant 0 : i32
      %scan3A_190 = arith.constant 62 : i32
      %scan3A_191 = arith.addi %scan3A_189, %scan3A_190 : i32
      %scan3A_192 = arith.constant 1 : i32
      %scan3A_193 = scf.for %scan3A_228 = %scan3A_189 to %scan3A_191 step %scan3A_192 iter_args(%scan3A_229 = %scan3A_188) -> (i32)  : i32 {
        %mul3A_230 = arith.constant 2 : i32
        %mul3A_231 = arith.muli %mul3A_230, %scan3A_228 : i32
        %mul3A_232 = arith.constant 16 : i32
        %mul3A_233 = arith.muli %mul3A_231, %mul3A_232 : i32
        %get3A_234 = arith.index_cast %mul3A_233 : i32 to index
        %get3A_235 = tpu.vector_load %arg9[%get3A_234] {strides = array<i32>} : memref<2000xi32, #tpu.memory_space<vmem>>, vector<16xi32>,
        %mul3A_236 = arith.constant 16 : i32
        %mul3A_237 = arith.muli %mul3A_231, %mul3A_236 : i32
        %get3A_238 = arith.index_cast %mul3A_237 : i32 to index
        %get3A_239 = tpu.vector_load %arg10[%get3A_238] {strides = array<i32>} : memref<2000xi32, #tpu.memory_space<vmem>>, vector<16xi32>,
        %mul3A_240 = arith.constant 16 : i32
        %mul3A_241 = arith.muli %mul3A_231, %mul3A_240 : i32
        %add3A_242 = arith.addi %mul3A_187, %mul3A_241 : i32
        %add3A_243 = vector.broadcast %add3A_242 : i32 to vector<16xi32>
        %add3A_244 = arith.addi %add3A_243, %iota3A : vector<16xi32>
        %sub3A_245 = vector.broadcast %mul3A_2 : i32 to vector<16xi32>
        %sub3A_246 = arith.subi %get3A_235, %sub3A_245 : vector<16xi32>
        %ge3A_247 = arith.constant 0 : i32
        %ge3A_248 = vector.broadcast %ge3A_247 : i32 to vector<16xi32>
        %ge3A_249 = arith.cmpi sge, %sub3A_246, %ge3A_248 : vector<16xi32>
        %lt3A_250 = arith.constant 13824 : i32
        %lt3A_251 = vector.broadcast %lt3A_250 : i32 to vector<16xi32>
        %lt3A_252 = arith.cmpi slt, %sub3A_246, %lt3A_251 : vector<16xi32>
        %and3A_253 = arith.andi %ge3A_249, %lt3A_252 : vector<16xi1>
        %shift_left3A_254 = arith.constant 12 : i32
        %shift_left3A_255 = vector.broadcast %shift_left3A_254 : i32 to vector<16xi32>
        %shift_left3A_256 = arith.shli %add3A_244, %shift_left3A_255 : vector<16xi32>
        %or3A_257 = arith.ori %shift_left3A_256, %get3A_239 : vector<16xi32>
        %jit3A_258 = arith.constant 0 : i32
        %jit3A_259 = arith.constant 13823 : i32
        %max3A_260 = vector.broadcast %jit3A_258 : i32 to vector<16xi32>
        %max3A_261 = arith.maxsi %max3A_260, %sub3A_246 : vector<16xi32>
        %min3A_262 = vector.broadcast %jit3A_259 : i32 to vector<16xi32>
        %min3A_263 = arith.minsi %min3A_262, %max3A_261 : vector<16xi32>
        tpu.vector_store_idx %arg6[%min3A_263], %or3A_257 masked %and3A_253 : memref<13824xi32, #tpu.memory_space<vmem>>[vector<16xi32>], vector<16xi32>, vector<16xi1>
        %mul3A_264 = arith.constant 2 : i32
        %mul3A_265 = arith.muli %mul3A_264, %scan3A_228 : i32
        %add3A_266 = arith.constant 1 : i32
        %add3A_267 = arith.addi %mul3A_265, %add3A_266 : i32
        %mul3A_268 = arith.constant 16 : i32
        %mul3A_269 = arith.muli %add3A_267, %mul3A_268 : i32
        %get3A_270 = arith.index_cast %mul3A_269 : i32 to index
        %get3A_271 = tpu.vector_load %arg9[%get3A_270] {strides = array<i32>} : memref<2000xi32, #tpu.memory_space<vmem>>, vector<16xi32>,
        %mul3A_272 = arith.constant 16 : i32
        %mul3A_273 = arith.muli %add3A_267, %mul3A_272 : i32
        %get3A_274 = arith.index_cast %mul3A_273 : i32 to index
        %get3A_275 = tpu.vector_load %arg10[%get3A_274] {strides = array<i32>} : memref<2000xi32, #tpu.memory_space<vmem>>, vector<16xi32>,
        %mul3A_276 = arith.constant 16 : i32
        %mul3A_277 = arith.muli %add3A_267, %mul3A_276 : i32
        %add3A_278 = arith.addi %mul3A_187, %mul3A_277 : i32
        %add3A_279 = vector.broadcast %add3A_278 : i32 to vector<16xi32>
        %add3A_280 = arith.addi %add3A_279, %iota3A : vector<16xi32>
        %sub3A_281 = vector.broadcast %mul3A_2 : i32 to vector<16xi32>
        %sub3A_282 = arith.subi %get3A_271, %sub3A_281 : vector<16xi32>
        %ge3A_283 = arith.constant 0 : i32
        %ge3A_284 = vector.broadcast %ge3A_283 : i32 to vector<16xi32>
        %ge3A_285 = arith.cmpi sge, %sub3A_282, %ge3A_284 : vector<16xi32>
        %lt3A_286 = arith.constant 13824 : i32
        %lt3A_287 = vector.broadcast %lt3A_286 : i32 to vector<16xi32>
        %lt3A_288 = arith.cmpi slt, %sub3A_282, %lt3A_287 : vector<16xi32>
        %and3A_289 = arith.andi %ge3A_285, %lt3A_288 : vector<16xi1>
        %shift_left3A_290 = arith.constant 12 : i32
        %shift_left3A_291 = vector.broadcast %shift_left3A_290 : i32 to vector<16xi32>
        %shift_left3A_292 = arith.shli %add3A_280, %shift_left3A_291 : vector<16xi32>
        %or3A_293 = arith.ori %shift_left3A_292, %get3A_275 : vector<16xi32>
        %jit3A_294 = arith.constant 0 : i32
        %jit3A_295 = arith.constant 13823 : i32
        %max3A_296 = vector.broadcast %jit3A_294 : i32 to vector<16xi32>
        %max3A_297 = arith.maxsi %max3A_296, %sub3A_282 : vector<16xi32>
        %min3A_298 = vector.broadcast %jit3A_295 : i32 to vector<16xi32>
        %min3A_299 = arith.minsi %min3A_298, %max3A_297 : vector<16xi32>
        tpu.vector_store_idx %arg6[%min3A_299], %or3A_293 masked %and3A_289 : memref<13824xi32, #tpu.memory_space<vmem>>[vector<16xi32>], vector<16xi32>, vector<16xi1>
        %scan3A_300 = arith.constant 0 : i32
        scf.yield %scan3A_300 : i32
      }
      %scan3A_194 = arith.constant 62 : i32
      %get3A = arith.constant 1984 : index
      %get3A_195 = tpu.vector_load %arg9[%get3A] {strides = array<i32>} : memref<2000xi32, #tpu.memory_space<vmem>>, vector<16xi32>,
      %get3A_196 = arith.constant 1984 : index
      %get3A_197 = tpu.vector_load %arg10[%get3A_196] {strides = array<i32>} : memref<2000xi32, #tpu.memory_space<vmem>>, vector<16xi32>,
      %add3A_198 = arith.constant 1984 : i32
      %add3A_199 = arith.addi %mul3A_187, %add3A_198 : i32
      %add3A_200 = vector.broadcast %add3A_199 : i32 to vector<16xi32>
      %add3A_201 = arith.addi %add3A_200, %iota3A : vector<16xi32>
      %sub3A_202 = vector.broadcast %mul3A_2 : i32 to vector<16xi32>
      %sub3A_203 = arith.subi %get3A_195, %sub3A_202 : vector<16xi32>
      %ge3A_204 = arith.constant 0 : i32
      %ge3A_205 = vector.broadcast %ge3A_204 : i32 to vector<16xi32>
      %ge3A_206 = arith.cmpi sge, %sub3A_203, %ge3A_205 : vector<16xi32>
      %lt3A_207 = arith.constant 13824 : i32
      %lt3A_208 = vector.broadcast %lt3A_207 : i32 to vector<16xi32>
      %lt3A_209 = arith.cmpi slt, %sub3A_203, %lt3A_208 : vector<16xi32>
      %and3A_210 = arith.andi %ge3A_206, %lt3A_209 : vector<16xi1>
      %shift_left3A = arith.constant 12 : i32
      %shift_left3A_211 = vector.broadcast %shift_left3A : i32 to vector<16xi32>
      %shift_left3A_212 = arith.shli %add3A_201, %shift_left3A_211 : vector<16xi32>
      %or3A = arith.ori %shift_left3A_212, %get3A_197 : vector<16xi32>
      %jit3A_213 = arith.constant 0 : i32
      %jit3A_214 = arith.constant 13823 : i32
      %max3A = vector.broadcast %jit3A_213 : i32 to vector<16xi32>
      %max3A_215 = arith.maxsi %max3A, %sub3A_203 : vector<16xi32>
      %min3A = vector.broadcast %jit3A_214 : i32 to vector<16xi32>
      %min3A_216 = arith.minsi %min3A, %max3A_215 : vector<16xi32>
      tpu.vector_store_idx %arg6[%min3A_216], %or3A masked %and3A_210 : memref<13824xi32, #tpu.memory_space<vmem>>[vector<16xi32>], vector<16xi32>, vector<16xi1>
      %lt3A_217 = arith.constant 25 : i32
      %lt3A_218 = arith.cmpi slt, %add3A_174, %lt3A_217 : i32
      %convert_element_type3A_219 = arith.extui %lt3A_218 : i1 to i32
      %cond3A_220 = arith.constant 0 : i32
      %cond3A_221 = arith.cmpi ne, %convert_element_type3A_219, %cond3A_220 : i32
      scf.if %cond3A_221 {
        %mul3A_228 = arith.constant 2000 : i32
        %mul3A_229 = arith.muli %add3A_174, %mul3A_228 : i32
        %dma_start3A_230 = tpu.memref_slice %arg2[%mul3A_229] : memref<50000xi32, #tpu.memory_space<hbm>> -> memref<2000xi32, #tpu.memory_space<hbm>>
        %dma_start3A_231 = tpu.memref_slice %arg2[%mul3A_229] : memref<50000xi32, #tpu.memory_space<hbm>> -> memref<2000xi32, #tpu.memory_space<hbm>>
        tpu.enqueue_dma source(%dma_start3A_231 : memref<2000xi32, #tpu.memory_space<hbm>>) target(%arg9 : memref<2000xi32, #tpu.memory_space<vmem>>) target_semaphore(%arg18 : memref<!tpu.dma_semaphore, #tpu.memory_space<semaphore_mem>>)
        %mul3A_232 = arith.constant 2000 : i32
        %mul3A_233 = arith.muli %add3A_174, %mul3A_232 : i32
        %dma_start3A_234 = tpu.memref_slice %arg3[%mul3A_233] : memref<50000xi32, #tpu.memory_space<hbm>> -> memref<2000xi32, #tpu.memory_space<hbm>>
        %dma_start3A_235 = tpu.memref_slice %arg3[%mul3A_233] : memref<50000xi32, #tpu.memory_space<hbm>> -> memref<2000xi32, #tpu.memory_space<hbm>>
        tpu.enqueue_dma source(%dma_start3A_235 : memref<2000xi32, #tpu.memory_space<hbm>>) target(%arg10 : memref<2000xi32, #tpu.memory_space<vmem>>) target_semaphore(%arg18 : memref<!tpu.dma_semaphore, #tpu.memory_space<semaphore_mem>>)
      } else {
      }
      %lt3A_222 = arith.constant 25 : i32
      %lt3A_223 = arith.cmpi slt, %add3A_172, %lt3A_222 : i32
      %convert_element_type3A_224 = arith.extui %lt3A_223 : i1 to i32
      %cond3A_225 = arith.constant 0 : i32
      %cond3A_226 = arith.cmpi ne, %convert_element_type3A_224, %cond3A_225 : i32
      scf.if %cond3A_226 {
        %mul3A_228 = arith.constant 2000 : i32
        %mul3A_229 = arith.muli %add3A_172, %mul3A_228 : i32
        %dma_wait3A_230 = tpu.memref_slice %arg2[%mul3A_229] : memref<50000xi32, #tpu.memory_space<hbm>> -> memref<2000xi32, #tpu.memory_space<hbm>>
        %dma_wait3A_231 = tpu.memref_slice %arg2[%mul3A_229] : memref<50000xi32, #tpu.memory_space<hbm>> -> memref<2000xi32, #tpu.memory_space<hbm>>
        tpu.wait_dma2 semaphore(%arg19 : memref<!tpu.dma_semaphore, #tpu.memory_space<semaphore_mem>>) src(%dma_wait3A_231 : memref<2000xi32, #tpu.memory_space<hbm>>) dst(%arg11 : memref<2000xi32, #tpu.memory_space<vmem>>)
        %mul3A_232 = arith.constant 2000 : i32
        %mul3A_233 = arith.muli %add3A_172, %mul3A_232 : i32
        %dma_wait3A_234 = tpu.memref_slice %arg3[%mul3A_233] : memref<50000xi32, #tpu.memory_space<hbm>> -> memref<2000xi32, #tpu.memory_space<hbm>>
        %dma_wait3A_235 = tpu.memref_slice %arg3[%mul3A_233] : memref<50000xi32, #tpu.memory_space<hbm>> -> memref<2000xi32, #tpu.memory_space<hbm>>
        tpu.wait_dma2 semaphore(%arg19 : memref<!tpu.dma_semaphore, #tpu.memory_space<semaphore_mem>>) src(%dma_wait3A_235 : memref<2000xi32, #tpu.memory_space<hbm>>) dst(%arg12 : memref<2000xi32, #tpu.memory_space<vmem>>)
        %mul3A_236 = arith.constant 2000 : i32
        %mul3A_237 = arith.muli %add3A_172, %mul3A_236 : i32
        %scan3A_238 = arith.constant 0 : i32
        %scan3A_239 = arith.constant 0 : i32
        %scan3A_240 = arith.constant 62 : i32
        %scan3A_241 = arith.addi %scan3A_239, %scan3A_240 : i32
        %scan3A_242 = arith.constant 1 : i32
        %scan3A_243 = scf.for %scan3A_272 = %scan3A_239 to %scan3A_241 step %scan3A_242 iter_args(%scan3A_273 = %scan3A_238) -> (i32)  : i32 {
          %mul3A_274 = arith.constant 2 : i32
          %mul3A_275 = arith.muli %mul3A_274, %scan3A_272 : i32
          %mul3A_276 = arith.constant 16 : i32
          %mul3A_277 = arith.muli %mul3A_275, %mul3A_276 : i32
          %get3A_278 = arith.index_cast %mul3A_277 : i32 to index
          %get3A_279 = tpu.vector_load %arg11[%get3A_278] {strides = array<i32>} : memref<2000xi32, #tpu.memory_space<vmem>>, vector<16xi32>,
          %mul3A_280 = arith.constant 16 : i32
          %mul3A_281 = arith.muli %mul3A_275, %mul3A_280 : i32
          %get3A_282 = arith.index_cast %mul3A_281 : i32 to index
          %get3A_283 = tpu.vector_load %arg12[%get3A_282] {strides = array<i32>} : memref<2000xi32, #tpu.memory_space<vmem>>, vector<16xi32>,
          %mul3A_284 = arith.constant 16 : i32
          %mul3A_285 = arith.muli %mul3A_275, %mul3A_284 : i32
          %add3A_286 = arith.addi %mul3A_237, %mul3A_285 : i32
          %add3A_287 = vector.broadcast %add3A_286 : i32 to vector<16xi32>
          %add3A_288 = arith.addi %add3A_287, %iota3A : vector<16xi32>
          %sub3A_289 = vector.broadcast %mul3A_2 : i32 to vector<16xi32>
          %sub3A_290 = arith.subi %get3A_279, %sub3A_289 : vector<16xi32>
          %ge3A_291 = arith.constant 0 : i32
          %ge3A_292 = vector.broadcast %ge3A_291 : i32 to vector<16xi32>
          %ge3A_293 = arith.cmpi sge, %sub3A_290, %ge3A_292 : vector<16xi32>
          %lt3A_294 = arith.constant 13824 : i32
          %lt3A_295 = vector.broadcast %lt3A_294 : i32 to vector<16xi32>
          %lt3A_296 = arith.cmpi slt, %sub3A_290, %lt3A_295 : vector<16xi32>
          %and3A_297 = arith.andi %ge3A_293, %lt3A_296 : vector<16xi1>
          %shift_left3A_298 = arith.constant 12 : i32
          %shift_left3A_299 = vector.broadcast %shift_left3A_298 : i32 to vector<16xi32>
          %shift_left3A_300 = arith.shli %add3A_288, %shift_left3A_299 : vector<16xi32>
          %or3A_301 = arith.ori %shift_left3A_300, %get3A_283 : vector<16xi32>
          %jit3A_302 = arith.constant 0 : i32
          %jit3A_303 = arith.constant 13823 : i32
          %max3A_304 = vector.broadcast %jit3A_302 : i32 to vector<16xi32>
          %max3A_305 = arith.maxsi %max3A_304, %sub3A_290 : vector<16xi32>
          %min3A_306 = vector.broadcast %jit3A_303 : i32 to vector<16xi32>
          %min3A_307 = arith.minsi %min3A_306, %max3A_305 : vector<16xi32>
          tpu.vector_store_idx %arg6[%min3A_307], %or3A_301 masked %and3A_297 : memref<13824xi32, #tpu.memory_space<vmem>>[vector<16xi32>], vector<16xi32>, vector<16xi1>
          %mul3A_308 = arith.constant 2 : i32
          %mul3A_309 = arith.muli %mul3A_308, %scan3A_272 : i32
          %add3A_310 = arith.constant 1 : i32
          %add3A_311 = arith.addi %mul3A_309, %add3A_310 : i32
          %mul3A_312 = arith.constant 16 : i32
          %mul3A_313 = arith.muli %add3A_311, %mul3A_312 : i32
          %get3A_314 = arith.index_cast %mul3A_313 : i32 to index
          %get3A_315 = tpu.vector_load %arg11[%get3A_314] {strides = array<i32>} : memref<2000xi32, #tpu.memory_space<vmem>>, vector<16xi32>,
          %mul3A_316 = arith.constant 16 : i32
          %mul3A_317 = arith.muli %add3A_311, %mul3A_316 : i32
          %get3A_318 = arith.index_cast %mul3A_317 : i32 to index
          %get3A_319 = tpu.vector_load %arg12[%get3A_318] {strides = array<i32>} : memref<2000xi32, #tpu.memory_space<vmem>>, vector<16xi32>,
          %mul3A_320 = arith.constant 16 : i32
          %mul3A_321 = arith.muli %add3A_311, %mul3A_320 : i32
          %add3A_322 = arith.addi %mul3A_237, %mul3A_321 : i32
          %add3A_323 = vector.broadcast %add3A_322 : i32 to vector<16xi32>
          %add3A_324 = arith.addi %add3A_323, %iota3A : vector<16xi32>
          %sub3A_325 = vector.broadcast %mul3A_2 : i32 to vector<16xi32>
          %sub3A_326 = arith.subi %get3A_315, %sub3A_325 : vector<16xi32>
          %ge3A_327 = arith.constant 0 : i32
          %ge3A_328 = vector.broadcast %ge3A_327 : i32 to vector<16xi32>
          %ge3A_329 = arith.cmpi sge, %sub3A_326, %ge3A_328 : vector<16xi32>
          %lt3A_330 = arith.constant 13824 : i32
          %lt3A_331 = vector.broadcast %lt3A_330 : i32 to vector<16xi32>
          %lt3A_332 = arith.cmpi slt, %sub3A_326, %lt3A_331 : vector<16xi32>
          %and3A_333 = arith.andi %ge3A_329, %lt3A_332 : vector<16xi1>
          %shift_left3A_334 = arith.constant 12 : i32
          %shift_left3A_335 = vector.broadcast %shift_left3A_334 : i32 to vector<16xi32>
          %shift_left3A_336 = arith.shli %add3A_324, %shift_left3A_335 : vector<16xi32>
          %or3A_337 = arith.ori %shift_left3A_336, %get3A_319 : vector<16xi32>
          %jit3A_338 = arith.constant 0 : i32
          %jit3A_339 = arith.constant 13823 : i32
          %max3A_340 = vector.broadcast %jit3A_338 : i32 to vector<16xi32>
          %max3A_341 = arith.maxsi %max3A_340, %sub3A_326 : vector<16xi32>
          %min3A_342 = vector.broadcast %jit3A_339 : i32 to vector<16xi32>
          %min3A_343 = arith.minsi %min3A_342, %max3A_341 : vector<16xi32>
          tpu.vector_store_idx %arg6[%min3A_343], %or3A_337 masked %and3A_333 : memref<13824xi32, #tpu.memory_space<vmem>>[vector<16xi32>], vector<16xi32>, vector<16xi1>
          %scan3A_344 = arith.constant 0 : i32
          scf.yield %scan3A_344 : i32
        }
        %scan3A_244 = arith.constant 62 : i32
        %get3A_245 = arith.constant 1984 : index
        %get3A_246 = tpu.vector_load %arg11[%get3A_245] {strides = array<i32>} : memref<2000xi32, #tpu.memory_space<vmem>>, vector<16xi32>,
        %get3A_247 = arith.constant 1984 : index
        %get3A_248 = tpu.vector_load %arg12[%get3A_247] {strides = array<i32>} : memref<2000xi32, #tpu.memory_space<vmem>>, vector<16xi32>,
        %add3A_249 = arith.constant 1984 : i32
        %add3A_250 = arith.addi %mul3A_237, %add3A_249 : i32
        %add3A_251 = vector.broadcast %add3A_250 : i32 to vector<16xi32>
        %add3A_252 = arith.addi %add3A_251, %iota3A : vector<16xi32>
        %sub3A_253 = vector.broadcast %mul3A_2 : i32 to vector<16xi32>
        %sub3A_254 = arith.subi %get3A_246, %sub3A_253 : vector<16xi32>
        %ge3A_255 = arith.constant 0 : i32
        %ge3A_256 = vector.broadcast %ge3A_255 : i32 to vector<16xi32>
        %ge3A_257 = arith.cmpi sge, %sub3A_254, %ge3A_256 : vector<16xi32>
        %lt3A_258 = arith.constant 13824 : i32
        %lt3A_259 = vector.broadcast %lt3A_258 : i32 to vector<16xi32>
        %lt3A_260 = arith.cmpi slt, %sub3A_254, %lt3A_259 : vector<16xi32>
        %and3A_261 = arith.andi %ge3A_257, %lt3A_260 : vector<16xi1>
        %shift_left3A_262 = arith.constant 12 : i32
        %shift_left3A_263 = vector.broadcast %shift_left3A_262 : i32 to vector<16xi32>
        %shift_left3A_264 = arith.shli %add3A_252, %shift_left3A_263 : vector<16xi32>
        %or3A_265 = arith.ori %shift_left3A_264, %get3A_248 : vector<16xi32>
        %jit3A_266 = arith.constant 0 : i32
        %jit3A_267 = arith.constant 13823 : i32
        %max3A_268 = vector.broadcast %jit3A_266 : i32 to vector<16xi32>
        %max3A_269 = arith.maxsi %max3A_268, %sub3A_254 : vector<16xi32>
        %min3A_270 = vector.broadcast %jit3A_267 : i32 to vector<16xi32>
        %min3A_271 = arith.minsi %min3A_270, %max3A_269 : vector<16xi32>
        tpu.vector_store_idx %arg6[%min3A_271], %or3A_265 masked %and3A_261 : memref<13824xi32, #tpu.memory_space<vmem>>[vector<16xi32>], vector<16xi32>, vector<16xi1>
      } else {
      }
      %scan3A_227 = arith.constant 0 : i32
      scf.yield %scan3A_227 : i32
    }
    %scan3A_39 = arith.constant 13 : i32
    %broadcast_in_dim3A_40 = arith.constant 13824 : i32
    %broadcast_in_dim3A_41 = vector.broadcast %broadcast_in_dim3A_40 : i32 to vector<16xi32>
    %scan3A_42 = arith.constant 0 : i32
    %scan3A_43 = arith.constant 0 : i32
    %scan3A_44 = arith.constant 864 : i32
    %scan3A_45 = arith.addi %scan3A_43, %scan3A_44 : i32
    %scan3A_46 = arith.constant 1 : i32
    %scan3A_47:2 = scf.for %scan3A_167 = %scan3A_43 to %scan3A_45 step %scan3A_46 iter_args(%scan3A_168 = %scan3A_42, %scan3A_169 = %broadcast_in_dim3A_41) -> (i32, vector<16xi32>)  : i32 {
      %mul3A_170 = arith.constant 16 : i32
      %mul3A_171 = arith.muli %scan3A_167, %mul3A_170 : i32
      %get3A = arith.index_cast %mul3A_171 : i32 to index
      %get3A_172 = tpu.vector_load %arg6[%get3A] {strides = array<i32>} : memref<13824xi32, #tpu.memory_space<vmem>>, vector<16xi32>,
      %ge3A_173 = arith.constant 0 : i32
      %ge3A_174 = vector.broadcast %ge3A_173 : i32 to vector<16xi32>
      %ge3A_175 = arith.cmpi sge, %get3A_172, %ge3A_174 : vector<16xi32>
      %mul3A_176 = arith.constant 16 : i32
      %mul3A_177 = arith.muli %scan3A_167, %mul3A_176 : i32
      %add3A_178 = vector.broadcast %mul3A_177 : i32 to vector<16xi32>
      %add3A_179 = arith.addi %add3A_178, %iota3A : vector<16xi32>
      %add3A_180 = vector.broadcast %mul3A_2 : i32 to vector<16xi32>
      %add3A_181 = arith.addi %add3A_180, %add3A_179 : vector<16xi32>
      %swap3A = arith.index_cast %scan3A_168 : i32 to index
      %swap3A_182 = tpu.vector_load %arg7[%swap3A] masked %ge3A_175 {strides = array<i32>} : memref<13824xi32, #tpu.memory_space<vmem>>, vector<16xi32>, vector<16xi1>
      tpu.vector_store %arg7[%swap3A], %add3A_181 masked %ge3A_175 {strides = array<i32>} : memref<13824xi32, #tpu.memory_space<vmem>>, vector<16xi32>, vector<16xi1>
      %and3A_183 = arith.constant 4095 : i32
      %and3A_184 = vector.broadcast %and3A_183 : i32 to vector<16xi32>
      %and3A_185 = arith.andi %get3A_172, %and3A_184 : vector<16xi32>
      %swap3A_186 = arith.index_cast %scan3A_168 : i32 to index
      %swap3A_187 = tpu.vector_load %arg8[%swap3A_186] masked %ge3A_175 {strides = array<i32>} : memref<13824xi32, #tpu.memory_space<vmem>>, vector<16xi32>, vector<16xi1>
      tpu.vector_store %arg8[%swap3A_186], %and3A_185 masked %ge3A_175 {strides = array<i32>} : memref<13824xi32, #tpu.memory_space<vmem>>, vector<16xi32>, vector<16xi1>
      %convert_element_type3A_188 = arith.extui %ge3A_175 : vector<16xi1> to vector<16xi32>
      %reduce_sum3A = arith.constant true
      %reduce_sum3A_189 = vector.broadcast %reduce_sum3A : i1 to vector<16xi1>
      %reduce_sum3A_190 = tpu.scan <sum>, %convert_element_type3A_188 masked %reduce_sum3A_189 : vector<16xi32>, vector<16xi1> -> vector<16xi32>
      %reduce_sum3A_191 = vector.extract %reduce_sum3A_190[15] : i32 from vector<16xi32>
      %add3A_192 = arith.addi %scan3A_168, %reduce_sum3A_191 : i32
      %select_n3A_193 = arith.select %ge3A_175, %broadcast_in_dim3A_41, %add3A_179 : vector<16xi1>, vector<16xi32>
      %min3A = arith.minsi %scan3A_169, %select_n3A_193 : vector<16xi32>
      scf.yield %add3A_192, %min3A : i32, vector<16xi32>
    }
    %scan3A_48 = arith.constant 864 : i32
    %reduce_min3A = arith.constant true
    %reduce_min3A_49 = vector.broadcast %reduce_min3A : i1 to vector<16xi1>
    %reduce_min3A_50 = arith.constant -2147483648 : i32
    %reduce_min3A_51 = vector.broadcast %reduce_min3A_50 : i32 to vector<16xi32>
    %reduce_min3A_52 = arith.xori %scan3A_47#1, %reduce_min3A_51 : vector<16xi32>
    %reduce_min3A_53 = tpu.scan <min>, %reduce_min3A_52 masked %reduce_min3A_49 : vector<16xi32>, vector<16xi1> -> vector<16xi32>
    %reduce_min3A_54 = arith.xori %reduce_min3A_53, %reduce_min3A_51 : vector<16xi32>
    %reduce_min3A_55 = vector.extract %reduce_min3A_54[15] : i32 from vector<16xi32>
    %ge3A = arith.constant 13824 : i32
    %ge3A_56 = arith.cmpi sge, %reduce_min3A_55, %ge3A : i32
    %jit3A = arith.constant 0 : i32
    %select_n3A = arith.select %ge3A_56, %jit3A, %reduce_min3A_55 : i32
    %add3A_57 = arith.addi %mul3A_2, %select_n3A : i32
    %broadcast_in_dim3A_58 = arith.constant 0 : i32
    %broadcast_in_dim3A_59 = vector.broadcast %broadcast_in_dim3A_58 : i32 to vector<16xi32>
    %add3A_60 = vector.broadcast %add3A_57 : i32 to vector<16xi32>
    %add3A_61 = arith.addi %add3A_60, %broadcast_in_dim3A_59 : vector<16xi32>
    %broadcast_in_dim3A_62 = arith.constant 4096 : i32
    %broadcast_in_dim3A_63 = vector.broadcast %broadcast_in_dim3A_62 : i32 to vector<16xi32>
    %jit3A_64 = arith.constant 16 : i32
    %div3A = arith.divsi %scan3A_47#0, %jit3A_64 : i32
    %sign3A = arith.constant 0 : i32
    %sign3A_65 = arith.cmpi sgt, %scan3A_47#0, %sign3A : i32
    %sign3A_66 = arith.extui %sign3A_65 : i1 to i32
    %sign3A_67 = arith.constant 0 : i32
    %sign3A_68 = arith.cmpi slt, %scan3A_47#0, %sign3A_67 : i32
    %sign3A_69 = arith.extui %sign3A_68 : i1 to i32
    %sign3A_70 = arith.subi %sign3A_66, %sign3A_69 : i32
    %sign3A_71 = arith.constant 0 : i32
    %sign3A_72 = arith.cmpi sgt, %jit3A_64, %sign3A_71 : i32
    %sign3A_73 = arith.extui %sign3A_72 : i1 to i32
    %sign3A_74 = arith.constant 0 : i32
    %sign3A_75 = arith.cmpi slt, %jit3A_64, %sign3A_74 : i32
    %sign3A_76 = arith.extui %sign3A_75 : i1 to i32
    %sign3A_77 = arith.subi %sign3A_73, %sign3A_76 : i32
    %ne3A = arith.cmpi ne, %sign3A_70, %sign3A_77 : i32
    %rem3A = arith.remsi %scan3A_47#0, %jit3A_64 : i32
    %ne3A_78 = arith.constant 0 : i32
    %ne3A_79 = arith.cmpi ne, %rem3A, %ne3A_78 : i32
    %and3A = arith.andi %ne3A, %ne3A_79 : i1
    %sub3A = arith.constant 1 : i32
    %sub3A_80 = arith.subi %div3A, %sub3A : i32
    %select_n3A_81 = arith.select %and3A, %sub3A_80, %div3A : i32
    %mul3A_82 = arith.constant 16 : i32
    %mul3A_83 = arith.muli %select_n3A_81, %mul3A_82 : i32
    %scan3A_84 = arith.constant 0 : i32
    %scan3A_85 = arith.constant 0 : i32
    %scan3A_86 = arith.constant 8 : i32
    %scan3A_87 = arith.addi %scan3A_85, %scan3A_86 : i32
    %scan3A_88 = arith.constant 1 : i32
    %scan3A_89 = scf.for %scan3A_167 = %scan3A_85 to %scan3A_87 step %scan3A_88 iter_args(%scan3A_168 = %scan3A_84) -> (i32)  : i32 {
      %mul3A_169 = arith.constant 16 : i32
      %mul3A_170 = arith.muli %scan3A_167, %mul3A_169 : i32
      %add3A_171 = arith.addi %mul3A_83, %mul3A_170 : i32
      %add3A_172 = vector.broadcast %add3A_171 : i32 to vector<16xi32>
      %add3A_173 = arith.addi %add3A_172, %iota3A : vector<16xi32>
      %ge3A_174 = vector.broadcast %scan3A_47#0 : i32 to vector<16xi32>
      %ge3A_175 = arith.cmpi sge, %add3A_173, %ge3A_174 : vector<16xi32>
      %lt3A = arith.constant 13824 : i32
      %lt3A_176 = vector.broadcast %lt3A : i32 to vector<16xi32>
      %lt3A_177 = arith.cmpi slt, %add3A_173, %lt3A_176 : vector<16xi32>
      %and3A_178 = arith.andi %ge3A_175, %lt3A_177 : vector<16xi1>
      %jit3A_179 = arith.constant 0 : i32
      %jit3A_180 = arith.constant 13823 : i32
      %max3A = vector.broadcast %jit3A_179 : i32 to vector<16xi32>
      %max3A_181 = arith.maxsi %max3A, %add3A_173 : vector<16xi32>
      %min3A = vector.broadcast %jit3A_180 : i32 to vector<16xi32>
      %min3A_182 = arith.minsi %min3A, %max3A_181 : vector<16xi32>
      tpu.vector_store_idx %arg7[%min3A_182], %add3A_61 masked %and3A_178 : memref<13824xi32, #tpu.memory_space<vmem>>[vector<16xi32>], vector<16xi32>, vector<16xi1>
      %scan3A_183 = arith.constant 0 : i32
      scf.yield %scan3A_183 : i32
    }
    %scan3A_90 = arith.constant 8 : i32
    %jit3A_91 = arith.constant 16 : i32
    %div3A_92 = arith.divsi %scan3A_47#0, %jit3A_91 : i32
    %sign3A_93 = arith.constant 0 : i32
    %sign3A_94 = arith.cmpi sgt, %scan3A_47#0, %sign3A_93 : i32
    %sign3A_95 = arith.extui %sign3A_94 : i1 to i32
    %sign3A_96 = arith.constant 0 : i32
    %sign3A_97 = arith.cmpi slt, %scan3A_47#0, %sign3A_96 : i32
    %sign3A_98 = arith.extui %sign3A_97 : i1 to i32
    %sign3A_99 = arith.subi %sign3A_95, %sign3A_98 : i32
    %sign3A_100 = arith.constant 0 : i32
    %sign3A_101 = arith.cmpi sgt, %jit3A_91, %sign3A_100 : i32
    %sign3A_102 = arith.extui %sign3A_101 : i1 to i32
    %sign3A_103 = arith.constant 0 : i32
    %sign3A_104 = arith.cmpi slt, %jit3A_91, %sign3A_103 : i32
    %sign3A_105 = arith.extui %sign3A_104 : i1 to i32
    %sign3A_106 = arith.subi %sign3A_102, %sign3A_105 : i32
    %ne3A_107 = arith.cmpi ne, %sign3A_99, %sign3A_106 : i32
    %rem3A_108 = arith.remsi %scan3A_47#0, %jit3A_91 : i32
    %ne3A_109 = arith.constant 0 : i32
    %ne3A_110 = arith.cmpi ne, %rem3A_108, %ne3A_109 : i32
    %and3A_111 = arith.andi %ne3A_107, %ne3A_110 : i1
    %sub3A_112 = arith.constant 1 : i32
    %sub3A_113 = arith.subi %div3A_92, %sub3A_112 : i32
    %select_n3A_114 = arith.select %and3A_111, %sub3A_113, %div3A_92 : i32
    %mul3A_115 = arith.constant 16 : i32
    %mul3A_116 = arith.muli %select_n3A_114, %mul3A_115 : i32
    %scan3A_117 = arith.constant 0 : i32
    %scan3A_118 = arith.constant 0 : i32
    %scan3A_119 = arith.constant 8 : i32
    %scan3A_120 = arith.addi %scan3A_118, %scan3A_119 : i32
    %scan3A_121 = arith.constant 1 : i32
    %scan3A_122 = scf.for %scan3A_167 = %scan3A_118 to %scan3A_120 step %scan3A_121 iter_args(%scan3A_168 = %scan3A_117) -> (i32)  : i32 {
      %mul3A_169 = arith.constant 16 : i32
      %mul3A_170 = arith.muli %scan3A_167, %mul3A_169 : i32
      %add3A_171 = arith.addi %mul3A_116, %mul3A_170 : i32
      %add3A_172 = vector.broadcast %add3A_171 : i32 to vector<16xi32>
      %add3A_173 = arith.addi %add3A_172, %iota3A : vector<16xi32>
      %ge3A_174 = vector.broadcast %scan3A_47#0 : i32 to vector<16xi32>
      %ge3A_175 = arith.cmpi sge, %add3A_173, %ge3A_174 : vector<16xi32>
      %lt3A = arith.constant 13824 : i32
      %lt3A_176 = vector.broadcast %lt3A : i32 to vector<16xi32>
      %lt3A_177 = arith.cmpi slt, %add3A_173, %lt3A_176 : vector<16xi32>
      %and3A_178 = arith.andi %ge3A_175, %lt3A_177 : vector<16xi1>
      %jit3A_179 = arith.constant 0 : i32
      %jit3A_180 = arith.constant 13823 : i32
      %max3A = vector.broadcast %jit3A_179 : i32 to vector<16xi32>
      %max3A_181 = arith.maxsi %max3A, %add3A_173 : vector<16xi32>
      %min3A = vector.broadcast %jit3A_180 : i32 to vector<16xi32>
      %min3A_182 = arith.minsi %min3A, %max3A_181 : vector<16xi32>
      tpu.vector_store_idx %arg8[%min3A_182], %broadcast_in_dim3A_63 masked %and3A_178 : memref<13824xi32, #tpu.memory_space<vmem>>[vector<16xi32>], vector<16xi32>, vector<16xi1>
      %scan3A_183 = arith.constant 0 : i32
      scf.yield %scan3A_183 : i32
    }
    %scan3A_123 = arith.constant 8 : i32
    %add3A_124 = arith.constant 128 : i32
    %add3A_125 = arith.addi %scan3A_47#0, %add3A_124 : i32
    %sub3A_126 = arith.constant 1 : i32
    %sub3A_127 = arith.subi %add3A_125, %sub3A_126 : i32
    %jit3A_128 = arith.constant 128 : i32
    %div3A_129 = arith.divsi %sub3A_127, %jit3A_128 : i32
    %sign3A_130 = arith.constant 0 : i32
    %sign3A_131 = arith.cmpi sgt, %sub3A_127, %sign3A_130 : i32
    %sign3A_132 = arith.extui %sign3A_131 : i1 to i32
    %sign3A_133 = arith.constant 0 : i32
    %sign3A_134 = arith.cmpi slt, %sub3A_127, %sign3A_133 : i32
    %sign3A_135 = arith.extui %sign3A_134 : i1 to i32
    %sign3A_136 = arith.subi %sign3A_132, %sign3A_135 : i32
    %sign3A_137 = arith.constant 0 : i32
    %sign3A_138 = arith.cmpi sgt, %jit3A_128, %sign3A_137 : i32
    %sign3A_139 = arith.extui %sign3A_138 : i1 to i32
    %sign3A_140 = arith.constant 0 : i32
    %sign3A_141 = arith.cmpi slt, %jit3A_128, %sign3A_140 : i32
    %sign3A_142 = arith.extui %sign3A_141 : i1 to i32
    %sign3A_143 = arith.subi %sign3A_139, %sign3A_142 : i32
    %ne3A_144 = arith.cmpi ne, %sign3A_136, %sign3A_143 : i32
    %rem3A_145 = arith.remsi %sub3A_127, %jit3A_128 : i32
    %ne3A_146 = arith.constant 0 : i32
    %ne3A_147 = arith.cmpi ne, %rem3A_145, %ne3A_146 : i32
    %and3A_148 = arith.andi %ne3A_144, %ne3A_147 : i1
    %sub3A_149 = arith.constant 1 : i32
    %sub3A_150 = arith.subi %div3A_129, %sub3A_149 : i32
    %select_n3A_151 = arith.select %and3A_148, %sub3A_150, %div3A_129 : i32
    %scan3A_152 = arith.constant 0 : i32
    %scan3A_153 = arith.constant 0 : i32
    %scan3A_154 = arith.constant 54 : i32
    %scan3A_155 = arith.addi %scan3A_153, %scan3A_154 : i32
    %scan3A_156 = arith.constant 1 : i32
    %scan3A_157 = scf.for %scan3A_167 = %scan3A_153 to %scan3A_155 step %scan3A_156 iter_args(%scan3A_168 = %scan3A_152) -> (i32)  : i32 {
      %mul3A_169 = arith.constant 2 : i32
      %mul3A_170 = arith.muli %mul3A_169, %scan3A_167 : i32
      %add3A_171 = arith.constant 0 : i32
      %add3A_172 = arith.addi %mul3A_170, %add3A_171 : i32
      %lt3A = arith.cmpi slt, %add3A_172, %select_n3A_151 : i32
      %ge3A_173 = arith.constant 2 : i32
      %ge3A_174 = arith.cmpi sge, %add3A_172, %ge3A_173 : i32
      %and3A_175 = arith.andi %lt3A, %ge3A_174 : i1
      %convert_element_type3A_176 = arith.extui %and3A_175 : i1 to i32
      %cond3A_177 = arith.constant 0 : i32
      %cond3A_178 = arith.cmpi ne, %convert_element_type3A_176, %cond3A_177 : i32
      scf.if %cond3A_178 {
        %dma_wait3A = arith.constant 0 : i32
        %dma_wait3A_321 = arith.constant 0 : i32
        %dma_wait3A_322 = arith.constant 0 : i32
        %dma_wait3A_323 = arith.constant 0 : i32
        %dma_wait3A_324 = arith.constant 0 : i32
        %dma_wait3A_325 = tpu.memref_slice %arg14[%dma_wait3A, %dma_wait3A_323, %dma_wait3A_324] : memref<2x128x128xf32, #tpu.memory_space<vmem>> -> memref<1x128x128xf32, #tpu.memory_space<vmem>>
        %dma_wait3A_326 = tpu.memref_squeeze %dma_wait3A_325 : memref<1x128x128xf32, #tpu.memory_space<vmem>> -> memref<128x128xf32, #tpu.memory_space<vmem>>
        %dma_wait3A_327 = arith.constant 0 : i32
        %dma_wait3A_328 = tpu.memref_slice %arg13[%dma_wait3A_321, %dma_wait3A_327] : memref<2x128xi32, #tpu.memory_space<vmem>> -> memref<1x128xi32, #tpu.memory_space<vmem>>
        %dma_wait3A_329 = tpu.memref_squeeze %dma_wait3A_328 : memref<1x128xi32, #tpu.memory_space<vmem>> -> memref<128xi32, #tpu.memory_space<vmem>>
        %dma_wait3A_330 = arith.constant 0 : i32
        %dma_wait3A_331 = arith.constant 0 : i32
        %dma_wait3A_332 = tpu.memref_slice %arg5[%dma_wait3A_330, %dma_wait3A_331] : memref<442368x128xf32, #tpu.memory_space<hbm>> -> memref<442368x128xf32, #tpu.memory_space<hbm>>
        %dma_wait3A_333 = tpu.memref_slice %arg21[%dma_wait3A_322] : memref<2x!tpu.dma_semaphore, #tpu.memory_space<semaphore_mem>> -> memref<1x!tpu.dma_semaphore, #tpu.memory_space<semaphore_mem>>
        %dma_wait3A_334 = tpu.memref_squeeze %dma_wait3A_333 : memref<1x!tpu.dma_semaphore, #tpu.memory_space<semaphore_mem>> -> memref<!tpu.dma_semaphore, #tpu.memory_space<semaphore_mem>>
        tpu.wait_indirect_dma semaphore(%dma_wait3A_334 : memref<!tpu.dma_semaphore, #tpu.memory_space<semaphore_mem>>) src(%dma_wait3A_326 : memref<128x128xf32, #tpu.memory_space<vmem>>) dst(%dma_wait3A_332 : memref<442368x128xf32, #tpu.memory_space<hbm>>)
      } else {
      }
      %lt3A_179 = arith.cmpi slt, %add3A_172, %select_n3A_151 : i32
      %convert_element_type3A_180 = arith.extui %lt3A_179 : i1 to i32
      %cond3A_181 = arith.constant 0 : i32
      %cond3A_182 = arith.cmpi ne, %convert_element_type3A_180, %cond3A_181 : i32
      scf.if %cond3A_182 {
        %scan3A_321 = arith.constant 0 : i32
        %scan3A_322 = arith.constant 0 : i32
        %scan3A_323 = arith.constant 0 : i32
        %scan3A_324 = arith.constant 8 : i32
        %scan3A_325 = arith.addi %scan3A_323, %scan3A_324 : i32
        %scan3A_326 = arith.constant 1 : i32
        %scan3A_327 = scf.for %scan3A_343 = %scan3A_323 to %scan3A_325 step %scan3A_326 iter_args(%scan3A_344 = %scan3A_322) -> (i32)  : i32 {
          %mul3A_345 = arith.constant 128 : i32
          %mul3A_346 = arith.muli %add3A_172, %mul3A_345 : i32
          %mul3A_347 = arith.constant 16 : i32
          %mul3A_348 = arith.muli %scan3A_343, %mul3A_347 : i32
          %add3A_349 = arith.addi %mul3A_346, %mul3A_348 : i32
          %get3A = arith.index_cast %add3A_349 : i32 to index
          %get3A_350 = tpu.vector_load %arg7[%get3A] {strides = array<i32>} : memref<13824xi32, #tpu.memory_space<vmem>>, vector<16xi32>,
          %mul3A_351 = arith.constant 16 : i32
          %mul3A_352 = arith.muli %scan3A_343, %mul3A_351 : i32
          %swap3A = arith.constant 0 : i32
          %swap3A_353 = tpu.memref_slice %arg13[%scan3A_321, %swap3A] : memref<2x128xi32, #tpu.memory_space<vmem>> -> memref<1x128xi32, #tpu.memory_space<vmem>>
          %swap3A_354 = tpu.memref_squeeze %swap3A_353 : memref<1x128xi32, #tpu.memory_space<vmem>> -> memref<128xi32, #tpu.memory_space<vmem>>
          %swap3A_355 = arith.index_cast %mul3A_352 : i32 to index
          %swap3A_356 = tpu.vector_load %swap3A_354[%swap3A_355] {strides = array<i32>} : memref<128xi32, #tpu.memory_space<vmem>>, vector<16xi32>,
          tpu.vector_store %swap3A_354[%swap3A_355], %get3A_350 {strides = array<i32>} : memref<128xi32, #tpu.memory_space<vmem>>, vector<16xi32>,
          %scan3A_357 = arith.constant 0 : i32
          scf.yield %scan3A_357 : i32
        }
        %scan3A_328 = arith.constant 8 : i32
        %mul3A_329 = arith.constant 128 : i32
        %mul3A_330 = arith.muli %add3A_172, %mul3A_329 : i32
        %dma_start3A_331 = arith.constant 0 : i32
        %dma_start3A_332 = arith.constant 0 : i32
        %dma_start3A_333 = arith.constant 0 : i32
        %dma_start3A_334 = arith.constant 0 : i32
        %dma_start3A_335 = tpu.memref_slice %arg14[%dma_start3A_331, %dma_start3A_333, %dma_start3A_334] : memref<2x128x128xf32, #tpu.memory_space<vmem>> -> memref<1x128x128xf32, #tpu.memory_space<vmem>>
        %dma_start3A_336 = tpu.memref_squeeze %dma_start3A_335 : memref<1x128x128xf32, #tpu.memory_space<vmem>> -> memref<128x128xf32, #tpu.memory_space<vmem>>
        %dma_start3A_337 = tpu.memref_slice %arg8[%mul3A_330] : memref<13824xi32, #tpu.memory_space<vmem>> -> memref<128xi32, #tpu.memory_space<vmem>>
        %dma_start3A_338 = arith.constant 0 : i32
        %dma_start3A_339 = arith.constant 0 : i32
        %dma_start3A_340 = tpu.memref_slice %arg17[%dma_start3A_338, %dma_start3A_339] : memref<4224x128xf32, #tpu.memory_space<vmem_shared>> -> memref<4224x128xf32, #tpu.memory_space<vmem_shared>>
        %dma_start3A_341 = tpu.memref_slice %arg20[%dma_start3A_332] : memref<2x!tpu.dma_semaphore, #tpu.memory_space<semaphore_mem>> -> memref<1x!tpu.dma_semaphore, #tpu.memory_space<semaphore_mem>>
        %dma_start3A_342 = tpu.memref_squeeze %dma_start3A_341 : memref<1x!tpu.dma_semaphore, #tpu.memory_space<semaphore_mem>> -> memref<!tpu.dma_semaphore, #tpu.memory_space<semaphore_mem>>
        tpu.enqueue_indirect_dma source(%dma_start3A_340 : memref<4224x128xf32, #tpu.memory_space<vmem_shared>>) target(%dma_start3A_336 : memref<128x128xf32, #tpu.memory_space<vmem>>) offsets(%dma_start3A_337 : memref<128xi32, #tpu.memory_space<vmem>>) semaphore(%dma_start3A_342 : memref<!tpu.dma_semaphore, #tpu.memory_space<semaphore_mem>>)
      } else {
      }
      %mul3A_183 = arith.constant 2 : i32
      %mul3A_184 = arith.muli %mul3A_183, %scan3A_167 : i32
      %add3A_185 = arith.constant 1 : i32
      %add3A_186 = arith.addi %mul3A_184, %add3A_185 : i32
      %lt3A_187 = arith.cmpi slt, %add3A_186, %select_n3A_151 : i32
      %ge3A_188 = arith.constant 2 : i32
      %ge3A_189 = arith.cmpi sge, %add3A_186, %ge3A_188 : i32
      %and3A_190 = arith.andi %lt3A_187, %ge3A_189 : i1
      %convert_element_type3A_191 = arith.extui %and3A_190 : i1 to i32
      %cond3A_192 = arith.constant 0 : i32
      %cond3A_193 = arith.cmpi ne, %convert_element_type3A_191, %cond3A_192 : i32
      scf.if %cond3A_193 {
        %dma_wait3A = arith.constant 1 : i32
        %dma_wait3A_321 = arith.constant 1 : i32
        %dma_wait3A_322 = arith.constant 1 : i32
        %dma_wait3A_323 = arith.constant 0 : i32
        %dma_wait3A_324 = arith.constant 0 : i32
        %dma_wait3A_325 = tpu.memref_slice %arg14[%dma_wait3A, %dma_wait3A_323, %dma_wait3A_324] : memref<2x128x128xf32, #tpu.memory_space<vmem>> -> memref<1x128x128xf32, #tpu.memory_space<vmem>>
        %dma_wait3A_326 = tpu.memref_squeeze %dma_wait3A_325 : memref<1x128x128xf32, #tpu.memory_space<vmem>> -> memref<128x128xf32, #tpu.memory_space<vmem>>
        %dma_wait3A_327 = arith.constant 0 : i32
        %dma_wait3A_328 = tpu.memref_slice %arg13[%dma_wait3A_321, %dma_wait3A_327] : memref<2x128xi32, #tpu.memory_space<vmem>> -> memref<1x128xi32, #tpu.memory_space<vmem>>
        %dma_wait3A_329 = tpu.memref_squeeze %dma_wait3A_328 : memref<1x128xi32, #tpu.memory_space<vmem>> -> memref<128xi32, #tpu.memory_space<vmem>>
        %dma_wait3A_330 = arith.constant 0 : i32
        %dma_wait3A_331 = arith.constant 0 : i32
        %dma_wait3A_332 = tpu.memref_slice %arg5[%dma_wait3A_330, %dma_wait3A_331] : memref<442368x128xf32, #tpu.memory_space<hbm>> -> memref<442368x128xf32, #tpu.memory_space<hbm>>
        %dma_wait3A_333 = tpu.memref_slice %arg21[%dma_wait3A_322] : memref<2x!tpu.dma_semaphore, #tpu.memory_space<semaphore_mem>> -> memref<1x!tpu.dma_semaphore, #tpu.memory_space<semaphore_mem>>
        %dma_wait3A_334 = tpu.memref_squeeze %dma_wait3A_333 : memref<1x!tpu.dma_semaphore, #tpu.memory_space<semaphore_mem>> -> memref<!tpu.dma_semaphore, #tpu.memory_space<semaphore_mem>>
        tpu.wait_indirect_dma semaphore(%dma_wait3A_334 : memref<!tpu.dma_semaphore, #tpu.memory_space<semaphore_mem>>) src(%dma_wait3A_326 : memref<128x128xf32, #tpu.memory_space<vmem>>) dst(%dma_wait3A_332 : memref<442368x128xf32, #tpu.memory_space<hbm>>)
      } else {
      }
      %lt3A_194 = arith.cmpi slt, %add3A_186, %select_n3A_151 : i32
      %convert_element_type3A_195 = arith.extui %lt3A_194 : i1 to i32
      %cond3A_196 = arith.constant 0 : i32
      %cond3A_197 = arith.cmpi ne, %convert_element_type3A_195, %cond3A_196 : i32
      scf.if %cond3A_197 {
        %scan3A_321 = arith.constant 1 : i32
        %scan3A_322 = arith.constant 0 : i32
        %scan3A_323 = arith.constant 0 : i32
        %scan3A_324 = arith.constant 8 : i32
        %scan3A_325 = arith.addi %scan3A_323, %scan3A_324 : i32
        %scan3A_326 = arith.constant 1 : i32
        %scan3A_327 = scf.for %scan3A_343 = %scan3A_323 to %scan3A_325 step %scan3A_326 iter_args(%scan3A_344 = %scan3A_322) -> (i32)  : i32 {
          %mul3A_345 = arith.constant 128 : i32
          %mul3A_346 = arith.muli %add3A_186, %mul3A_345 : i32
          %mul3A_347 = arith.constant 16 : i32
          %mul3A_348 = arith.muli %scan3A_343, %mul3A_347 : i32
          %add3A_349 = arith.addi %mul3A_346, %mul3A_348 : i32
          %get3A = arith.index_cast %add3A_349 : i32 to index
          %get3A_350 = tpu.vector_load %arg7[%get3A] {strides = array<i32>} : memref<13824xi32, #tpu.memory_space<vmem>>, vector<16xi32>,
          %mul3A_351 = arith.constant 16 : i32
          %mul3A_352 = arith.muli %scan3A_343, %mul3A_351 : i32
          %swap3A = arith.constant 0 : i32
          %swap3A_353 = tpu.memref_slice %arg13[%scan3A_321, %swap3A] : memref<2x128xi32, #tpu.memory_space<vmem>> -> memref<1x128xi32, #tpu.memory_space<vmem>>
          %swap3A_354 = tpu.memref_squeeze %swap3A_353 : memref<1x128xi32, #tpu.memory_space<vmem>> -> memref<128xi32, #tpu.memory_space<vmem>>
          %swap3A_355 = arith.index_cast %mul3A_352 : i32 to index
          %swap3A_356 = tpu.vector_load %swap3A_354[%swap3A_355] {strides = array<i32>} : memref<128xi32, #tpu.memory_space<vmem>>, vector<16xi32>,
          tpu.vector_store %swap3A_354[%swap3A_355], %get3A_350 {strides = array<i32>} : memref<128xi32, #tpu.memory_space<vmem>>, vector<16xi32>,
          %scan3A_357 = arith.constant 0 : i32
          scf.yield %scan3A_357 : i32
        }
        %scan3A_328 = arith.constant 8 : i32
        %mul3A_329 = arith.constant 128 : i32
        %mul3A_330 = arith.muli %add3A_186, %mul3A_329 : i32
        %dma_start3A_331 = arith.constant 1 : i32
        %dma_start3A_332 = arith.constant 1 : i32
        %dma_start3A_333 = arith.constant 0 : i32
        %dma_start3A_334 = arith.constant 0 : i32
        %dma_start3A_335 = tpu.memref_slice %arg14[%dma_start3A_331, %dma_start3A_333, %dma_start3A_334] : memref<2x128x128xf32, #tpu.memory_space<vmem>> -> memref<1x128x128xf32, #tpu.memory_space<vmem>>
        %dma_start3A_336 = tpu.memref_squeeze %dma_start3A_335 : memref<1x128x128xf32, #tpu.memory_space<vmem>> -> memref<128x128xf32, #tpu.memory_space<vmem>>
        %dma_start3A_337 = tpu.memref_slice %arg8[%mul3A_330] : memref<13824xi32, #tpu.memory_space<vmem>> -> memref<128xi32, #tpu.memory_space<vmem>>
        %dma_start3A_338 = arith.constant 0 : i32
        %dma_start3A_339 = arith.constant 0 : i32
        %dma_start3A_340 = tpu.memref_slice %arg17[%dma_start3A_338, %dma_start3A_339] : memref<4224x128xf32, #tpu.memory_space<vmem_shared>> -> memref<4224x128xf32, #tpu.memory_space<vmem_shared>>
        %dma_start3A_341 = tpu.memref_slice %arg20[%dma_start3A_332] : memref<2x!tpu.dma_semaphore, #tpu.memory_space<semaphore_mem>> -> memref<1x!tpu.dma_semaphore, #tpu.memory_space<semaphore_mem>>
        %dma_start3A_342 = tpu.memref_squeeze %dma_start3A_341 : memref<1x!tpu.dma_semaphore, #tpu.memory_space<semaphore_mem>> -> memref<!tpu.dma_semaphore, #tpu.memory_space<semaphore_mem>>
        tpu.enqueue_indirect_dma source(%dma_start3A_340 : memref<4224x128xf32, #tpu.memory_space<vmem_shared>>) target(%dma_start3A_336 : memref<128x128xf32, #tpu.memory_space<vmem>>) offsets(%dma_start3A_337 : memref<128xi32, #tpu.memory_space<vmem>>) semaphore(%dma_start3A_342 : memref<!tpu.dma_semaphore, #tpu.memory_space<semaphore_mem>>)
      } else {
      }
      %mul3A_198 = arith.constant 2 : i32
      %mul3A_199 = arith.muli %mul3A_198, %scan3A_167 : i32
      %add3A_200 = arith.constant 0 : i32
      %add3A_201 = arith.addi %mul3A_199, %add3A_200 : i32
      %broadcast_in_dim3A_202 = arith.constant 0 : i32
      %broadcast_in_dim3A_203 = vector.broadcast %broadcast_in_dim3A_202 : i32 to vector<16xi32>
      %mul3A_204 = arith.constant 128 : i32
      %mul3A_205 = arith.muli %add3A_201, %mul3A_204 : i32
      %add3A_206 = arith.constant 128 : i32
      %add3A_207 = arith.addi %mul3A_205, %add3A_206 : i32
      %sub3A_208 = arith.constant 1 : i32
      %sub3A_209 = arith.subi %add3A_207, %sub3A_208 : i32
      %add3A_210 = vector.broadcast %sub3A_209 : i32 to vector<16xi32>
      %add3A_211 = arith.addi %broadcast_in_dim3A_203, %add3A_210 : vector<16xi32>
      %gather3A = tpu.vector_load_idx %arg7[%add3A_211] : memref<13824xi32, #tpu.memory_space<vmem>>[vector<16xi32>], vector<16xi32>,
      %reduce_max3A = arith.constant true
      %reduce_max3A_212 = vector.broadcast %reduce_max3A : i1 to vector<16xi1>
      %reduce_max3A_213 = arith.constant -2147483648 : i32
      %reduce_max3A_214 = vector.broadcast %reduce_max3A_213 : i32 to vector<16xi32>
      %reduce_max3A_215 = arith.xori %gather3A, %reduce_max3A_214 : vector<16xi32>
      %reduce_max3A_216 = tpu.scan <max>, %reduce_max3A_215 masked %reduce_max3A_212 : vector<16xi32>, vector<16xi1> -> vector<16xi32>
      %reduce_max3A_217 = arith.xori %reduce_max3A_216, %reduce_max3A_214 : vector<16xi32>
      %reduce_max3A_218 = vector.extract %reduce_max3A_217[15] : i32 from vector<16xi32>
      %sub3A_219 = arith.subi %reduce_max3A_218, %mul3A_2 : i32
      %lt3A_220 = arith.cmpi slt, %add3A_201, %select_n3A_151 : i32
      %sub3A_221 = arith.constant 1 : i32
      %sub3A_222 = arith.subi %select_n3A_151, %sub3A_221 : i32
      %eq3A = arith.cmpi eq, %add3A_201, %sub3A_222 : i32
      %jit3A_223 = arith.constant 864 : i32
      %div3A_224 = arith.divsi %sub3A_219, %jit3A_223 : i32
      %sign3A_225 = arith.constant 0 : i32
      %sign3A_226 = arith.cmpi sgt, %sub3A_219, %sign3A_225 : i32
      %sign3A_227 = arith.extui %sign3A_226 : i1 to i32
      %sign3A_228 = arith.constant 0 : i32
      %sign3A_229 = arith.cmpi slt, %sub3A_219, %sign3A_228 : i32
      %sign3A_230 = arith.extui %sign3A_229 : i1 to i32
      %sign3A_231 = arith.subi %sign3A_227, %sign3A_230 : i32
      %sign3A_232 = arith.constant 0 : i32
      %sign3A_233 = arith.cmpi sgt, %jit3A_223, %sign3A_232 : i32
      %sign3A_234 = arith.extui %sign3A_233 : i1 to i32
      %sign3A_235 = arith.constant 0 : i32
      %sign3A_236 = arith.cmpi slt, %jit3A_223, %sign3A_235 : i32
      %sign3A_237 = arith.extui %sign3A_236 : i1 to i32
      %sign3A_238 = arith.subi %sign3A_234, %sign3A_237 : i32
      %ne3A_239 = arith.cmpi ne, %sign3A_231, %sign3A_238 : i32
      %rem3A_240 = arith.remsi %sub3A_219, %jit3A_223 : i32
      %ne3A_241 = arith.constant 0 : i32
      %ne3A_242 = arith.cmpi ne, %rem3A_240, %ne3A_241 : i32
      %and3A_243 = arith.andi %ne3A_239, %ne3A_242 : i1
      %sub3A_244 = arith.constant 1 : i32
      %sub3A_245 = arith.subi %div3A_224, %sub3A_244 : i32
      %select_n3A_246 = arith.select %and3A_243, %sub3A_245, %div3A_224 : i32
      %add3A_247 = arith.constant 1 : i32
      %add3A_248 = arith.addi %select_n3A_246, %add3A_247 : i32
      %jit3A_249 = arith.constant 16 : i32
      %select_n3A_250 = arith.select %eq3A, %jit3A_249, %add3A_248 : i32
      %jit3A_251 = arith.constant 0 : i32
      %select_n3A_252 = arith.select %lt3A_220, %select_n3A_250, %jit3A_251 : i32
      %while3A_253 = scf.while (%while3A_321 = %scan3A_168) : (i32) -> i32 {
        %lt3A_322 = arith.cmpi slt, %while3A_321, %select_n3A_252 : i32
        scf.condition(%lt3A_322) %while3A_321 : i32
      } do {
      ^bb0(%while3A_321: i32):
        %mul3A_322 = arith.constant 864 : i32
        %mul3A_323 = arith.muli %while3A_321, %mul3A_322 : i32
        %add3A_324 = arith.addi %mul3A_2, %mul3A_323 : i32
        %dma_wait3A = arith.constant 0 : i32
        %dma_wait3A_325 = tpu.memref_slice %arg5[%add3A_324, %dma_wait3A] : memref<442368x128xf32, #tpu.memory_space<hbm>> -> memref<864x128xf32, #tpu.memory_space<hbm>>
        tpu.wait_dma2 semaphore(%arg22 : memref<!tpu.dma_semaphore, #tpu.memory_space<semaphore_mem>>) src(%arg16 : memref<864x128xf32, #tpu.memory_space<vmem_shared>>) dst(%dma_wait3A_325 : memref<864x128xf32, #tpu.memory_space<hbm>>)
        %add3A_326 = arith.constant 1 : i32
        %add3A_327 = arith.addi %while3A_321, %add3A_326 : i32
        scf.yield %add3A_327 : i32
      }
      %lt3A_254 = arith.cmpi slt, %add3A_201, %select_n3A_151 : i32
      %convert_element_type3A_255 = arith.extui %lt3A_254 : i1 to i32
      %cond3A_256 = arith.constant 0 : i32
      %cond3A_257 = arith.cmpi ne, %convert_element_type3A_255, %cond3A_256 : i32
      scf.if %cond3A_257 {
        %dma_wait3A = arith.constant 0 : i32
        %dma_wait3A_321 = arith.constant 0 : i32
        %dma_wait3A_322 = arith.constant 0 : i32
        %dma_wait3A_323 = arith.constant 0 : i32
        %dma_wait3A_324 = tpu.memref_slice %arg14[%dma_wait3A, %dma_wait3A_322, %dma_wait3A_323] : memref<2x128x128xf32, #tpu.memory_space<vmem>> -> memref<1x128x128xf32, #tpu.memory_space<vmem>>
        %dma_wait3A_325 = tpu.memref_squeeze %dma_wait3A_324 : memref<1x128x128xf32, #tpu.memory_space<vmem>> -> memref<128x128xf32, #tpu.memory_space<vmem>>
        %dma_wait3A_326 = arith.constant 0 : i32
        %dma_wait3A_327 = tpu.memref_slice %arg8[%dma_wait3A_326] : memref<13824xi32, #tpu.memory_space<vmem>> -> memref<128xi32, #tpu.memory_space<vmem>>
        %dma_wait3A_328 = arith.constant 0 : i32
        %dma_wait3A_329 = arith.constant 0 : i32
        %dma_wait3A_330 = tpu.memref_slice %arg17[%dma_wait3A_328, %dma_wait3A_329] : memref<4224x128xf32, #tpu.memory_space<vmem_shared>> -> memref<4224x128xf32, #tpu.memory_space<vmem_shared>>
        %dma_wait3A_331 = tpu.memref_slice %arg20[%dma_wait3A_321] : memref<2x!tpu.dma_semaphore, #tpu.memory_space<semaphore_mem>> -> memref<1x!tpu.dma_semaphore, #tpu.memory_space<semaphore_mem>>
        %dma_wait3A_332 = tpu.memref_squeeze %dma_wait3A_331 : memref<1x!tpu.dma_semaphore, #tpu.memory_space<semaphore_mem>> -> memref<!tpu.dma_semaphore, #tpu.memory_space<semaphore_mem>>
        tpu.wait_indirect_dma semaphore(%dma_wait3A_332 : memref<!tpu.dma_semaphore, #tpu.memory_space<semaphore_mem>>) src(%dma_wait3A_330 : memref<4224x128xf32, #tpu.memory_space<vmem_shared>>) dst(%dma_wait3A_325 : memref<128x128xf32, #tpu.memory_space<vmem>>)
        %dma_start3A_333 = arith.constant 0 : i32
        %dma_start3A_334 = arith.constant 0 : i32
        %dma_start3A_335 = arith.constant 0 : i32
        %dma_start3A_336 = arith.constant 0 : i32
        %dma_start3A_337 = arith.constant 0 : i32
        %dma_start3A_338 = tpu.memref_slice %arg14[%dma_start3A_333, %dma_start3A_336, %dma_start3A_337] : memref<2x128x128xf32, #tpu.memory_space<vmem>> -> memref<1x128x128xf32, #tpu.memory_space<vmem>>
        %dma_start3A_339 = tpu.memref_squeeze %dma_start3A_338 : memref<1x128x128xf32, #tpu.memory_space<vmem>> -> memref<128x128xf32, #tpu.memory_space<vmem>>
        %dma_start3A_340 = arith.constant 0 : i32
        %dma_start3A_341 = tpu.memref_slice %arg13[%dma_start3A_334, %dma_start3A_340] : memref<2x128xi32, #tpu.memory_space<vmem>> -> memref<1x128xi32, #tpu.memory_space<vmem>>
        %dma_start3A_342 = tpu.memref_squeeze %dma_start3A_341 : memref<1x128xi32, #tpu.memory_space<vmem>> -> memref<128xi32, #tpu.memory_space<vmem>>
        %dma_start3A_343 = arith.constant 0 : i32
        %dma_start3A_344 = arith.constant 0 : i32
        %dma_start3A_345 = tpu.memref_slice %arg5[%dma_start3A_343, %dma_start3A_344] : memref<442368x128xf32, #tpu.memory_space<hbm>> -> memref<442368x128xf32, #tpu.memory_space<hbm>>
        %dma_start3A_346 = tpu.memref_slice %arg21[%dma_start3A_335] : memref<2x!tpu.dma_semaphore, #tpu.memory_space<semaphore_mem>> -> memref<1x!tpu.dma_semaphore, #tpu.memory_space<semaphore_mem>>
        %dma_start3A_347 = tpu.memref_squeeze %dma_start3A_346 : memref<1x!tpu.dma_semaphore, #tpu.memory_space<semaphore_mem>> -> memref<!tpu.dma_semaphore, #tpu.memory_space<semaphore_mem>>
        tpu.enqueue_indirect_dma source(%dma_start3A_339 : memref<128x128xf32, #tpu.memory_space<vmem>>) target(%dma_start3A_345 : memref<442368x128xf32, #tpu.memory_space<hbm>>) offsets(%dma_start3A_342 : memref<128xi32, #tpu.memory_space<vmem>>) semaphore(%dma_start3A_347 : memref<!tpu.dma_semaphore, #tpu.memory_space<semaphore_mem>>)
      } else {
      }
      %mul3A_258 = arith.constant 2 : i32
      %mul3A_259 = arith.muli %mul3A_258, %scan3A_167 : i32
      %add3A_260 = arith.constant 1 : i32
      %add3A_261 = arith.addi %mul3A_259, %add3A_260 : i32
      %broadcast_in_dim3A_262 = arith.constant 0 : i32
      %broadcast_in_dim3A_263 = vector.broadcast %broadcast_in_dim3A_262 : i32 to vector<16xi32>
      %mul3A_264 = arith.constant 128 : i32
      %mul3A_265 = arith.muli %add3A_261, %mul3A_264 : i32
      %add3A_266 = arith.constant 128 : i32
      %add3A_267 = arith.addi %mul3A_265, %add3A_266 : i32
      %sub3A_268 = arith.constant 1 : i32
      %sub3A_269 = arith.subi %add3A_267, %sub3A_268 : i32
      %add3A_270 = vector.broadcast %sub3A_269 : i32 to vector<16xi32>
      %add3A_271 = arith.addi %broadcast_in_dim3A_263, %add3A_270 : vector<16xi32>
      %gather3A_272 = tpu.vector_load_idx %arg7[%add3A_271] : memref<13824xi32, #tpu.memory_space<vmem>>[vector<16xi32>], vector<16xi32>,
      %reduce_max3A_273 = arith.constant true
      %reduce_max3A_274 = vector.broadcast %reduce_max3A_273 : i1 to vector<16xi1>
      %reduce_max3A_275 = arith.constant -2147483648 : i32
      %reduce_max3A_276 = vector.broadcast %reduce_max3A_275 : i32 to vector<16xi32>
      %reduce_max3A_277 = arith.xori %gather3A_272, %reduce_max3A_276 : vector<16xi32>
      %reduce_max3A_278 = tpu.scan <max>, %reduce_max3A_277 masked %reduce_max3A_274 : vector<16xi32>, vector<16xi1> -> vector<16xi32>
      %reduce_max3A_279 = arith.xori %reduce_max3A_278, %reduce_max3A_276 : vector<16xi32>
      %reduce_max3A_280 = vector.extract %reduce_max3A_279[15] : i32 from vector<16xi32>
      %sub3A_281 = arith.subi %reduce_max3A_280, %mul3A_2 : i32
      %lt3A_282 = arith.cmpi slt, %add3A_261, %select_n3A_151 : i32
      %sub3A_283 = arith.constant 1 : i32
      %sub3A_284 = arith.subi %select_n3A_151, %sub3A_283 : i32
      %eq3A_285 = arith.cmpi eq, %add3A_261, %sub3A_284 : i32
      %jit3A_286 = arith.constant 864 : i32
      %div3A_287 = arith.divsi %sub3A_281, %jit3A_286 : i32
      %sign3A_288 = arith.constant 0 : i32
      %sign3A_289 = arith.cmpi sgt, %sub3A_281, %sign3A_288 : i32
      %sign3A_290 = arith.extui %sign3A_289 : i1 to i32
      %sign3A_291 = arith.constant 0 : i32
      %sign3A_292 = arith.cmpi slt, %sub3A_281, %sign3A_291 : i32
      %sign3A_293 = arith.extui %sign3A_292 : i1 to i32
      %sign3A_294 = arith.subi %sign3A_290, %sign3A_293 : i32
      %sign3A_295 = arith.constant 0 : i32
      %sign3A_296 = arith.cmpi sgt, %jit3A_286, %sign3A_295 : i32
      %sign3A_297 = arith.extui %sign3A_296 : i1 to i32
      %sign3A_298 = arith.constant 0 : i32
      %sign3A_299 = arith.cmpi slt, %jit3A_286, %sign3A_298 : i32
      %sign3A_300 = arith.extui %sign3A_299 : i1 to i32
      %sign3A_301 = arith.subi %sign3A_297, %sign3A_300 : i32
      %ne3A_302 = arith.cmpi ne, %sign3A_294, %sign3A_301 : i32
      %rem3A_303 = arith.remsi %sub3A_281, %jit3A_286 : i32
      %ne3A_304 = arith.constant 0 : i32
      %ne3A_305 = arith.cmpi ne, %rem3A_303, %ne3A_304 : i32
      %and3A_306 = arith.andi %ne3A_302, %ne3A_305 : i1
      %sub3A_307 = arith.constant 1 : i32
      %sub3A_308 = arith.subi %div3A_287, %sub3A_307 : i32
      %select_n3A_309 = arith.select %and3A_306, %sub3A_308, %div3A_287 : i32
      %add3A_310 = arith.constant 1 : i32
      %add3A_311 = arith.addi %select_n3A_309, %add3A_310 : i32
      %jit3A_312 = arith.constant 16 : i32
      %select_n3A_313 = arith.select %eq3A_285, %jit3A_312, %add3A_311 : i32
      %jit3A_314 = arith.constant 0 : i32
      %select_n3A_315 = arith.select %lt3A_282, %select_n3A_313, %jit3A_314 : i32
      %while3A_316 = scf.while (%while3A_321 = %while3A_253) : (i32) -> i32 {
        %lt3A_322 = arith.cmpi slt, %while3A_321, %select_n3A_315 : i32
        scf.condition(%lt3A_322) %while3A_321 : i32
      } do {
      ^bb0(%while3A_321: i32):
        %mul3A_322 = arith.constant 864 : i32
        %mul3A_323 = arith.muli %while3A_321, %mul3A_322 : i32
        %add3A_324 = arith.addi %mul3A_2, %mul3A_323 : i32
        %dma_wait3A = arith.constant 0 : i32
        %dma_wait3A_325 = tpu.memref_slice %arg5[%add3A_324, %dma_wait3A] : memref<442368x128xf32, #tpu.memory_space<hbm>> -> memref<864x128xf32, #tpu.memory_space<hbm>>
        tpu.wait_dma2 semaphore(%arg22 : memref<!tpu.dma_semaphore, #tpu.memory_space<semaphore_mem>>) src(%arg16 : memref<864x128xf32, #tpu.memory_space<vmem_shared>>) dst(%dma_wait3A_325 : memref<864x128xf32, #tpu.memory_space<hbm>>)
        %add3A_326 = arith.constant 1 : i32
        %add3A_327 = arith.addi %while3A_321, %add3A_326 : i32
        scf.yield %add3A_327 : i32
      }
      %lt3A_317 = arith.cmpi slt, %add3A_261, %select_n3A_151 : i32
      %convert_element_type3A_318 = arith.extui %lt3A_317 : i1 to i32
      %cond3A_319 = arith.constant 0 : i32
      %cond3A_320 = arith.cmpi ne, %convert_element_type3A_318, %cond3A_319 : i32
      scf.if %cond3A_320 {
        %dma_wait3A = arith.constant 1 : i32
        %dma_wait3A_321 = arith.constant 1 : i32
        %dma_wait3A_322 = arith.constant 0 : i32
        %dma_wait3A_323 = arith.constant 0 : i32
        %dma_wait3A_324 = tpu.memref_slice %arg14[%dma_wait3A, %dma_wait3A_322, %dma_wait3A_323] : memref<2x128x128xf32, #tpu.memory_space<vmem>> -> memref<1x128x128xf32, #tpu.memory_space<vmem>>
        %dma_wait3A_325 = tpu.memref_squeeze %dma_wait3A_324 : memref<1x128x128xf32, #tpu.memory_space<vmem>> -> memref<128x128xf32, #tpu.memory_space<vmem>>
        %dma_wait3A_326 = arith.constant 0 : i32
        %dma_wait3A_327 = tpu.memref_slice %arg8[%dma_wait3A_326] : memref<13824xi32, #tpu.memory_space<vmem>> -> memref<128xi32, #tpu.memory_space<vmem>>
        %dma_wait3A_328 = arith.constant 0 : i32
        %dma_wait3A_329 = arith.constant 0 : i32
        %dma_wait3A_330 = tpu.memref_slice %arg17[%dma_wait3A_328, %dma_wait3A_329] : memref<4224x128xf32, #tpu.memory_space<vmem_shared>> -> memref<4224x128xf32, #tpu.memory_space<vmem_shared>>
        %dma_wait3A_331 = tpu.memref_slice %arg20[%dma_wait3A_321] : memref<2x!tpu.dma_semaphore, #tpu.memory_space<semaphore_mem>> -> memref<1x!tpu.dma_semaphore, #tpu.memory_space<semaphore_mem>>
        %dma_wait3A_332 = tpu.memref_squeeze %dma_wait3A_331 : memref<1x!tpu.dma_semaphore, #tpu.memory_space<semaphore_mem>> -> memref<!tpu.dma_semaphore, #tpu.memory_space<semaphore_mem>>
        tpu.wait_indirect_dma semaphore(%dma_wait3A_332 : memref<!tpu.dma_semaphore, #tpu.memory_space<semaphore_mem>>) src(%dma_wait3A_330 : memref<4224x128xf32, #tpu.memory_space<vmem_shared>>) dst(%dma_wait3A_325 : memref<128x128xf32, #tpu.memory_space<vmem>>)
        %dma_start3A_333 = arith.constant 1 : i32
        %dma_start3A_334 = arith.constant 1 : i32
        %dma_start3A_335 = arith.constant 1 : i32
        %dma_start3A_336 = arith.constant 0 : i32
        %dma_start3A_337 = arith.constant 0 : i32
        %dma_start3A_338 = tpu.memref_slice %arg14[%dma_start3A_333, %dma_start3A_336, %dma_start3A_337] : memref<2x128x128xf32, #tpu.memory_space<vmem>> -> memref<1x128x128xf32, #tpu.memory_space<vmem>>
        %dma_start3A_339 = tpu.memref_squeeze %dma_start3A_338 : memref<1x128x128xf32, #tpu.memory_space<vmem>> -> memref<128x128xf32, #tpu.memory_space<vmem>>
        %dma_start3A_340 = arith.constant 0 : i32
        %dma_start3A_341 = tpu.memref_slice %arg13[%dma_start3A_334, %dma_start3A_340] : memref<2x128xi32, #tpu.memory_space<vmem>> -> memref<1x128xi32, #tpu.memory_space<vmem>>
        %dma_start3A_342 = tpu.memref_squeeze %dma_start3A_341 : memref<1x128xi32, #tpu.memory_space<vmem>> -> memref<128xi32, #tpu.memory_space<vmem>>
        %dma_start3A_343 = arith.constant 0 : i32
        %dma_start3A_344 = arith.constant 0 : i32
        %dma_start3A_345 = tpu.memref_slice %arg5[%dma_start3A_343, %dma_start3A_344] : memref<442368x128xf32, #tpu.memory_space<hbm>> -> memref<442368x128xf32, #tpu.memory_space<hbm>>
        %dma_start3A_346 = tpu.memref_slice %arg21[%dma_start3A_335] : memref<2x!tpu.dma_semaphore, #tpu.memory_space<semaphore_mem>> -> memref<1x!tpu.dma_semaphore, #tpu.memory_space<semaphore_mem>>
        %dma_start3A_347 = tpu.memref_squeeze %dma_start3A_346 : memref<1x!tpu.dma_semaphore, #tpu.memory_space<semaphore_mem>> -> memref<!tpu.dma_semaphore, #tpu.memory_space<semaphore_mem>>
        tpu.enqueue_indirect_dma source(%dma_start3A_339 : memref<128x128xf32, #tpu.memory_space<vmem>>) target(%dma_start3A_345 : memref<442368x128xf32, #tpu.memory_space<hbm>>) offsets(%dma_start3A_342 : memref<128xi32, #tpu.memory_space<vmem>>) semaphore(%dma_start3A_347 : memref<!tpu.dma_semaphore, #tpu.memory_space<semaphore_mem>>)
      } else {
      }
      scf.yield %while3A_316 : i32
    }
    %scan3A_158 = arith.constant 54 : i32
    %gt3A = arith.constant 0 : i32
    %gt3A_159 = arith.cmpi sgt, %select_n3A_151, %gt3A : i32
    %convert_element_type3A = arith.extui %gt3A_159 : i1 to i32
    %cond3A = arith.constant 0 : i32
    %cond3A_160 = arith.cmpi ne, %convert_element_type3A, %cond3A : i32
    scf.if %cond3A_160 {
      %dma_wait3A = arith.constant 0 : i32
      %dma_wait3A_167 = arith.constant 0 : i32
      %dma_wait3A_168 = arith.constant 0 : i32
      %dma_wait3A_169 = arith.constant 0 : i32
      %dma_wait3A_170 = arith.constant 0 : i32
      %dma_wait3A_171 = tpu.memref_slice %arg14[%dma_wait3A, %dma_wait3A_169, %dma_wait3A_170] : memref<2x128x128xf32, #tpu.memory_space<vmem>> -> memref<1x128x128xf32, #tpu.memory_space<vmem>>
      %dma_wait3A_172 = tpu.memref_squeeze %dma_wait3A_171 : memref<1x128x128xf32, #tpu.memory_space<vmem>> -> memref<128x128xf32, #tpu.memory_space<vmem>>
      %dma_wait3A_173 = arith.constant 0 : i32
      %dma_wait3A_174 = tpu.memref_slice %arg13[%dma_wait3A_167, %dma_wait3A_173] : memref<2x128xi32, #tpu.memory_space<vmem>> -> memref<1x128xi32, #tpu.memory_space<vmem>>
      %dma_wait3A_175 = tpu.memref_squeeze %dma_wait3A_174 : memref<1x128xi32, #tpu.memory_space<vmem>> -> memref<128xi32, #tpu.memory_space<vmem>>
      %dma_wait3A_176 = arith.constant 0 : i32
      %dma_wait3A_177 = arith.constant 0 : i32
      %dma_wait3A_178 = tpu.memref_slice %arg5[%dma_wait3A_176, %dma_wait3A_177] : memref<442368x128xf32, #tpu.memory_space<hbm>> -> memref<442368x128xf32, #tpu.memory_space<hbm>>
      %dma_wait3A_179 = tpu.memref_slice %arg21[%dma_wait3A_168] : memref<2x!tpu.dma_semaphore, #tpu.memory_space<semaphore_mem>> -> memref<1x!tpu.dma_semaphore, #tpu.memory_space<semaphore_mem>>
      %dma_wait3A_180 = tpu.memref_squeeze %dma_wait3A_179 : memref<1x!tpu.dma_semaphore, #tpu.memory_space<semaphore_mem>> -> memref<!tpu.dma_semaphore, #tpu.memory_space<semaphore_mem>>
      tpu.wait_indirect_dma semaphore(%dma_wait3A_180 : memref<!tpu.dma_semaphore, #tpu.memory_space<semaphore_mem>>) src(%dma_wait3A_172 : memref<128x128xf32, #tpu.memory_space<vmem>>) dst(%dma_wait3A_178 : memref<442368x128xf32, #tpu.memory_space<hbm>>)
    } else {
    }
    %gt3A_161 = arith.constant 1 : i32
    %gt3A_162 = arith.cmpi sgt, %select_n3A_151, %gt3A_161 : i32
    %convert_element_type3A_163 = arith.extui %gt3A_162 : i1 to i32
    %cond3A_164 = arith.constant 0 : i32
    %cond3A_165 = arith.cmpi ne, %convert_element_type3A_163, %cond3A_164 : i32
    scf.if %cond3A_165 {
      %dma_wait3A = arith.constant 1 : i32
      %dma_wait3A_167 = arith.constant 1 : i32
      %dma_wait3A_168 = arith.constant 1 : i32
      %dma_wait3A_169 = arith.constant 0 : i32
      %dma_wait3A_170 = arith.constant 0 : i32
      %dma_wait3A_171 = tpu.memref_slice %arg14[%dma_wait3A, %dma_wait3A_169, %dma_wait3A_170] : memref<2x128x128xf32, #tpu.memory_space<vmem>> -> memref<1x128x128xf32, #tpu.memory_space<vmem>>
      %dma_wait3A_172 = tpu.memref_squeeze %dma_wait3A_171 : memref<1x128x128xf32, #tpu.memory_space<vmem>> -> memref<128x128xf32, #tpu.memory_space<vmem>>
      %dma_wait3A_173 = arith.constant 0 : i32
      %dma_wait3A_174 = tpu.memref_slice %arg13[%dma_wait3A_167, %dma_wait3A_173] : memref<2x128xi32, #tpu.memory_space<vmem>> -> memref<1x128xi32, #tpu.memory_space<vmem>>
      %dma_wait3A_175 = tpu.memref_squeeze %dma_wait3A_174 : memref<1x128xi32, #tpu.memory_space<vmem>> -> memref<128xi32, #tpu.memory_space<vmem>>
      %dma_wait3A_176 = arith.constant 0 : i32
      %dma_wait3A_177 = arith.constant 0 : i32
      %dma_wait3A_178 = tpu.memref_slice %arg5[%dma_wait3A_176, %dma_wait3A_177] : memref<442368x128xf32, #tpu.memory_space<hbm>> -> memref<442368x128xf32, #tpu.memory_space<hbm>>
      %dma_wait3A_179 = tpu.memref_slice %arg21[%dma_wait3A_168] : memref<2x!tpu.dma_semaphore, #tpu.memory_space<semaphore_mem>> -> memref<1x!tpu.dma_semaphore, #tpu.memory_space<semaphore_mem>>
      %dma_wait3A_180 = tpu.memref_squeeze %dma_wait3A_179 : memref<1x!tpu.dma_semaphore, #tpu.memory_space<semaphore_mem>> -> memref<!tpu.dma_semaphore, #tpu.memory_space<semaphore_mem>>
      tpu.wait_indirect_dma semaphore(%dma_wait3A_180 : memref<!tpu.dma_semaphore, #tpu.memory_space<semaphore_mem>>) src(%dma_wait3A_172 : memref<128x128xf32, #tpu.memory_space<vmem>>) dst(%dma_wait3A_178 : memref<442368x128xf32, #tpu.memory_space<hbm>>)
    } else {
    }
    %while3A_166 = scf.while (%while3A_167 = %scan3A_157) : (i32) -> i32 {
      %lt3A = arith.constant 16 : i32
      %lt3A_168 = arith.cmpi slt, %while3A_167, %lt3A : i32
      scf.condition(%lt3A_168) %while3A_167 : i32
    } do {
    ^bb0(%while3A_167: i32):
      %mul3A_168 = arith.constant 864 : i32
      %mul3A_169 = arith.muli %while3A_167, %mul3A_168 : i32
      %add3A_170 = arith.addi %mul3A_2, %mul3A_169 : i32
      %dma_wait3A = arith.constant 0 : i32
      %dma_wait3A_171 = tpu.memref_slice %arg5[%add3A_170, %dma_wait3A] : memref<442368x128xf32, #tpu.memory_space<hbm>> -> memref<864x128xf32, #tpu.memory_space<hbm>>
      tpu.wait_dma2 semaphore(%arg22 : memref<!tpu.dma_semaphore, #tpu.memory_space<semaphore_mem>>) src(%arg16 : memref<864x128xf32, #tpu.memory_space<vmem_shared>>) dst(%dma_wait3A_171 : memref<864x128xf32, #tpu.memory_space<hbm>>)
      %add3A_172 = arith.constant 1 : i32
      %add3A_173 = arith.addi %while3A_167, %add3A_172 : i32
      scf.yield %add3A_173 : i32
    }
    return
  }
}

</mosaic_0001>

<sc_bundles>
// kernel: _voxel_grid.3.cloned.1.call-start
scs
__scs_entry_jumppad:
0x0: {  	(pc) =	sbr.rel $0x88, $3  }
0x1: {  	(tag) =	ssettag $0x0;
	lr =	simm.s32 $0x1  }
0x2: {  	[smem:$0x3F9E] =	sst lr;
	_ =	strace $0xD0000000  }
0x3: {  	_ = 	snop  }
0x4: {  	_ = 	snop  }
0x5: {  	_ = 	snop  }
0x6: {  	_ = 	snop  }
0x7: {  	_ = 	snop  }
__scs_overlays_trampoline_lowered:
0x8: {  	[smem:$0x3FAD] =	sst s0  }
0x9: {  	[smem:$0x3FAE] =	sst s1  }
0xa: {  	[smem:$0x3FAF] =	sst s2  }
0xb: {  	[smem:$0x3FB0] =	sst s3  }
0xc: {  	[smem:$0x3FB1] =	sst s4  }
0xd: {  	[smem:$0x3FB2] =	sst s5  }
0xe: {  	[smem:$0x3FB3] =	sst s6  }
0xf: {  	[smem:$0x3FB4] =	sst s7  }
0x10: {  	[smem:$0x3FB5] =	sst s8  }
0x11: {  	[smem:$0x3FB6] =	sst s9;
	s0 =	simm.s32 @!p0 $0x0  }
0x12: {  	s1 =	sld [smem:$0x3F9C];
	s0 =	simm.s32 @p0 $0x1  }
0x13: {  	[smem:$0x3FB7] =	sst s0;
	s0 =	simm.s32 @!p1 $0x0  }
0x14: {  	s2 =	sld [smem:$0x3F9B];
	s0 =	simm.s32 @p1 $0x1  }
0x15: {  	[smem:$0x3FB8] =	sst s0;
	s0 =	simm.s32 @!p2 $0x0  }
0x16: {  	s3 =	sld [smem:$0x3FDB];
	s0 =	simm.s32 @p2 $0x1  }
0x17: {  	s4 =	simm.s32 $0x1BF5;
	[smem:$0x3FBA] =	sst s0  }
0x18: {  	s0 =	sld [smem:$0x3F9D];
	_ =	swait.ge [sflag:s4], $0x0  }
0x19: {  	s7 =	sld [smem:$0x3F9E]  }
0x1a: {  	s8 =	sadd.s32 $0xFFFFE003, lr  }
0x1b: {  	s9 =	sadd.s32 $0xFFFFFEF7, lr;
	s5 =	simm.s32 $0xFFFFFFFF;
	p2 =	slt.u32 s8, $0xFFFFF086  }
0x1c: {  	p1 =	slt.u32 s9, $0xF7A;
	s5 =	simm.s32 @!p2 $0x0  }
0x1d: {  	s5 =	simm.s32 @p1 $0x1;
	p0 =	seq.s32 s7, s2  }
0x1e: {  	s7 =	smul.u32 @!p0 $0xF7A, s2;
	p2 =	seq.s32 @!p0 s5, $0x0  }
0x1f: {  	s9 =	smul.u32 $0xF7A, s1;
	s8 =	simm.s32 @!p0 $0x1BF5;
	p2 =	por !p2, p0  }
0x20: {  	[sflag:s8] =	ssyncset.s32 @!p0 $0xFFFFF086;
	s6 =	sadd.s32 @!p0 s3, s7;
	s7 =	simm.s32 @!p0 $0x108  }
0x21: {  	s3 =	sadd.s32 s3, s9;
	s6 =	sadd.s32 @!p0 $0x88, s6;
	s7 =	simm.s32 @p2 $0x1082  }
0x22: {  	[simem:s7], [sflag:s8] =	dma.local @!p0 [hbm:s6], $0xF7A  }
0x23: {  	s9 =	sor.u32 $0xD0000000, s2;
	s6 =	simm.s32 $0x108;
	_ =	swait.ge @!p0 [sflag:s8], $0x0  }
0x24: {  	s3 =	sadd.s32 $0x88, s3;
	s6 =	simm.s32 @!p1 $0x1082;
	[sflag:s4] =	ssyncset.s32 $0xFFFFF086  }
0x25: {  	[simem:s6], [sflag:s4] =	dma.local [hbm:s3], $0xF7A  }
0x26: {  	[smem:$0x3F9E] =	sst s1;
	(tag) =	ssettag s2;
	_ =	strace s9  }
0x27: {  	s1 =	sld [smem:$0x3FAE]  }
0x28: {  	s2 =	sld [smem:$0x3FAF]  }
0x29: {  	s4 =	sld [smem:$0x3FB1]  }
0x2a: {  	p0 =	seq.s32 s5, $0x0;
	s5 =	sld [smem:$0x3FB2]  }
0x2b: {  	s6 =	sld [smem:$0x3FB3]  }
0x2c: {  	s7 =	sld [smem:$0x3FB4]  }
0x2d: {  	s3 =	simm.s32 $0x108;
	s8 =	sld [smem:$0x3FB5]  }
0x2e: {  	s3 =	simm.s32 @!p0 $0x1082;
	s9 =	sld [smem:$0x3FB6]  }
0x2f: {  	lr =	sadd.s32 s0, s3;
	s0 =	sld [smem:$0x3FAD]  }
0x30: {  	s3 =	sld [smem:$0x3FB0]  }
0x31: {  	[smem:$0x3FB9] =	sst s10  }
0x32: {  	s10 =	sld [smem:$0x3FB7];
	_ =	sdelay $0x3  }
0x33: {  	p0 =	seq.s32 s10, $0x1;
	s10 =	sld [smem:$0x3FB9];
	_ =	sdelay $0x3  }
0x34: {  	[smem:$0x3FB9] =	sst s10  }
0x35: {  	s10 =	sld [smem:$0x3FB8];
	_ =	sdelay $0x3  }
0x36: {  	p1 =	seq.s32 s10, $0x1;
	s10 =	sld [smem:$0x3FB9];
	_ =	sdelay $0x3  }
0x37: {  	[smem:$0x3FB9] =	sst s10  }
0x38: {  	s10 =	sld [smem:$0x3FBA]  }
0x39: {  	_ = 	snop;
	(pc) =	sbr.ind lr, $3  }
0x3a: {  	_ = 	snop  }
0x3b: {  	_ = 	snop  }
0x3c: {  	p2 =	seq.s32 s10, $0x1;
	s10 =	sld [smem:$0x3FB9]  }
0x3d: {  	_ =	shalt  }
0x3e: {  	_ =	shalt  }
0x3f: {  	_ =	shalt  }
0x40: {  	_ =	shalt  }
0x41: {  	_ =	shalt  }
0x42: {  	_ =	shalt  }
0x43: {  	_ =	shalt  }
0x44: {  	_ =	shalt  }
0x45: {  	_ =	shalt  }
0x46: {  	_ =	shalt  }
0x47: {  	_ =	shalt  }
0x48: {  	_ =	shalt  }
0x49: {  	_ =	shalt  }
0x4a: {  	_ =	shalt  }
0x4b: {  	_ =	shalt  }
0x4c: {  	_ =	shalt  }
0x4d: {  	_ =	shalt  }
0x4e: {  	_ =	shalt  }
0x4f: {  	_ =	shalt  }
0x50: {  	_ =	shalt  }
0x51: {  	_ =	shalt  }
0x52: {  	_ =	shalt  }
0x53: {  	_ =	shalt  }
0x54: {  	_ =	shalt  }
0x55: {  	_ =	shalt  }
0x56: {  	_ =	shalt  }
0x57: {  	_ =	shalt  }
0x58: {  	_ =	shalt  }
0x59: {  	_ =	shalt  }
0x5a: {  	_ =	shalt  }
0x5b: {  	_ =	shalt  }
0x5c: {  	_ =	shalt  }
0x5d: {  	_ =	shalt  }
0x5e: {  	_ =	shalt  }
0x5f: {  	_ =	shalt  }
0x60: {  	_ =	shalt  }
0x61: {  	_ =	shalt  }
0x62: {  	_ =	shalt  }
0x63: {  	_ =	shalt  }
0x64: {  	_ =	shalt  }
0x65: {  	_ =	shalt  }
0x66: {  	_ =	shalt  }
0x67: {  	_ =	shalt  }
0x68: {  	_ =	shalt  }
0x69: {  	_ =	shalt  }
0x6a: {  	_ =	shalt  }
0x6b: {  	_ =	shalt  }
0x6c: {  	_ =	shalt  }
0x6d: {  	_ =	shalt  }
0x6e: {  	_ =	shalt  }
0x6f: {  	_ =	shalt  }
0x70: {  	_ =	shalt  }
0x71: {  	_ =	shalt  }
0x72: {  	_ =	shalt  }
0x73: {  	_ =	shalt  }
0x74: {  	_ =	shalt  }
0x75: {  	_ =	shalt  }
0x76: {  	_ =	shalt  }
0x77: {  	_ =	shalt  }
0x78: {  	_ =	shalt  }
0x79: {  	_ =	shalt  }
0x7a: {  	_ =	shalt  }
0x7b: {  	_ =	shalt  }
0x7c: {  	_ =	shalt  }
0x7d: {  	_ =	shalt  }
0x7e: {  	_ =	shalt  }
0x7f: {  	_ =	shalt  }
0x80: {  	_ =	shalt  }
0x81: {  	_ =	shalt  }
0x82: {  	_ =	shalt  }
0x83: {  	_ =	shalt  }
0x84: {  	_ =	shalt  }
0x85: {  	_ =	shalt  }
0x86: {  	_ =	shalt  }
0x87: {  	_ =	shalt  }
.Lfunc_end0:
.L_simem_size_0:
called_computation_lowered:
.L_overlay_start_0:
0x88: {  	s2 =	sld [smem:$0x3FD9]  }
0x89: {  	s3 =	sld [smem:$0x3FFE];
	_ =	sdelay $0x1  }
0x8a: {  	s1 =	srdreg.scid  }
0x8b: {  	s0 =	sand.u32 $0x1, s1  }
0x8c: {  	s18 =	sshll.u32 s0, $0xA;
	s2 =	sadd.s32 s3, s2  }
0x8d: {  	s2 =	sadd.s32 s2, s18  }
0x8e: {  	[smem:$0x3FC5] =	sst s2  }
0x8f: {  	_ = 	snop  }
0x90: {  	s2 =	sld [smem:$0x3FC9]  }
0x91: {  	s19 =	sld [smem:$0x3FC8]  }
0x92: {  	s4 =	sld [smem:$0x3FC7]  }
0x93: {  	s5 =	sld [smem:$0x3FD0];
	(tm) =	ssettm $0x1  }
0x94: {  	s6 =	sld [smem:$0x3FFB];
	_ =	sdelay $0x3  }
0x95: {  	_ =	strace s6  }
0x96: {  	s6 =	sld [smem:$0x3FFC];
	_ =	sdelay $0x3  }
0x97: {  	_ =	strace s6  }
0x98: {  	s6 =	sld [smem:$0x3FFD];
	_ =	sdelay $0x3  }
0x99: {  	_ =	strace s6  }
0x9a: {  	_ =	strace $0x8FFFFFFF  }
0x9b: {  	s20 =	sld [smem:$0x3FDB];
	_ =	sdelay $0x1  }
0x9c: {  	s7 =	simm.s32 $_scs_section_size  }
0x9d: {  	s8 =	simm.s32 $_size__tile_overlayer_lowered;
	s9 =	simm.s32 $_tile_overlayer_lowered  }
0x9e: {  	s23 =	simm.s32 $0x1BFF;
	s22 =	sshll.u32 s9, $0x1;
	s6 =	sadd.s32 s7, s20  }
0x9f: {  	s10 =	simm.s32 $0x0;
	s21 =	sshll.u32 s8, $0x1;
	s8 =	sadd.s32 s22, s6  }
0xa0: {  	[timem:s10], [sflag:s23] =	dma.local [hbm:s8], s21  }
0xa1: {  	_ =	swait.ge [sflag:s23], s21  }
0xa2: {  	s7 =	ssub.s32 $0x0, s21;
	[sflag:s23] =	ssyncset.done $0x0  }
0xa3: {  	[sflag:s23] =	ssyncadd.s32 s7;
	_ =	sdelay $0x1  }
0xa4: {  	s24 =	simm.s32 $0x1B8B  }
0xa5: {  	_ =	swait.ge [sflag:s24], $0x1  }
0xa6: {  	[sflag:s24] =	ssyncset.done $0x0  }
0xa7: {  	s25 =	simm.s32 $0x1B8E;
	[sflag:s24] =	ssyncadd.s32 $0xFFFFFFFF  }
0xa8: {  	s26 =	simm.s32 $execute0_lowered;
	[smem:$0x3FD2] =	sst s25  }
0xa9: {  	s7 =	sshll.u32 s26, $0x1;
	_ =	strace $0x80000046;
	[dreg:$0x1] =	wrdreg $0xFFFFFFFF  }
0xaa: {  	s28 =	simm.s32 $_size_execute0_lowered;
	s6 =	sadd.s32 s6, s7;
	[dreg:$0x0] =	wrdreg $0x0  }
0xab: {  	s7 =	sshll.u32 s28, $0x1;
	[dreg:$0x2] =	wrdreg s6  }
0xac: {  	[dreg:$0x3] =	wrdreg s7  }
0xad: {  	[dreg:$0x4] =	wrdreg $0xC0  }
0xae: {  	_ =	task [dreg:s10], $0x5FFFF  }
0xaf: {  	[dreg:$0x1] =	wrdreg $0xFFFFFFFF  }
0xb0: {  	[dreg:$0x0] =	wrdreg $0x60  }
0xb1: {  	[dreg:$0x2] =	wrdreg s2  }
0xb2: {  	[dreg:$0x3] =	wrdreg s19  }
0xb3: {  	[dreg:$0x4] =	wrdreg s4  }
0xb4: {  	[dreg:$0x5] =	wrdreg s5  }
0xb5: {  	[dreg:$0x6] =	wrdreg $0x15F000  }
0xb6: {  	[dreg:$0x7] =	wrdreg $0x17A000  }
0xb7: {  	[dreg:$0x8] =	wrdreg $0x9  }
0xb8: {  	_ =	task.clear_ibuf [dreg:s10], $0x9FFFF;
	_ =	strace $0x90000046  }
0xb9: {  	s29 =	simm.s32 $0x9;
	_ =	strace $0x80000048  }
0xba: {  	_ =	swait.ge [sflag:s29], $0x1  }
0xbb: {  	[sflag:s29] =	ssyncadd.s32 $0xFFFFFFFF  }
0xbc: {  	_ =	strace $0x90000048  }
0xbd: {  	_ =	sfence  }
0xbe: {  	s30 =	sld [smem:$0x0];
	_ =	sdelay $0x2  }
0xbf: {  	s31 =	sshll.u32 s1, $0xD;
	s1 =	sshrl.u32 s1, $0x2  }
0xc0: {  	s3 =	sand.u32 $0x4000, s31;
	s1 =	sadd.s32 s1, s30  }
0xc1: {  	s0 =	sor.u32 s3, s0;
	s1 =	sshll.u32 s1, $0x11  }
0xc2: {  	s0 =	sor.u32 s1, s0  }
0xc3: {  	s0 =	sadd.s32 $0x8F2B, s0  }
0xc4: {  	[sflag:s0] =	ssyncadd.remote.s32 $0x1  }
0xc5: {  	_ =	sfence.sel $0xFFFF  }
0xc6: {  	[dreg:$0x0] =	wrdreg $0xFFFFFFFF;
	(pc) =	sbr.abs _section_cstart, $3  }
0xc7: {  	[dreg:$0x1] =	wrdreg $0xFFFFFFFF  }
0xc8: {  	_ =	task.clear_ibuf [dreg:s10], $0x2FFFF;
	_ =	strace $0x9FFFFFFF  }
0xc9: {  	(tm) =	ssettm $0x7FFFFFFF  }
tec
execute0_lowered:
.L_overlay_start_1:
0x0: {  	(tag) =	ssettag $0x1  }
0x1: {  	s1 =	rddreg [dreg:$0x0]  }
0x2: {  	s2 =	rddreg [dreg:$0x1]  }
0x3: {  	s0 =	rddreg [dreg:$0x2]  }
0x4: {  	s3 =	rddreg [dreg:$0x3]  }
0x5: {  	s13 =	rddreg [dreg:$0x4]  }
0x6: {  	s5 =	rddreg [dreg:$0x5]  }
0x7: {  	s7 =	simm.s32 $0x0;
	s4 =	srdreg.scid;
	s12 =	stileid.u32  }
0x8: {  	[smem:$0x7FF] =	sst s7;
	s4 =	sand.u32 $0x1, s4;
	s6 =	smul.u32 $0x6C00, s12  }
0x9: {  	s9 =	sshll.u32 s12, $0x1;
	s24 =	smul.u32 $0x1080, s12;
	s8 =	ssub.s32 $0x2, s4  }
0xa: {  	_ =	strace $0x80000047;
	s4 =	sor.u32 s4, s9;
	s11 =	sshrl.u32 s8, $0x1  }
0xb: {  	s6 =	sshrl.u32 s6, $0x2;
	s26 =	smul.u32 $0x36000, s4;
	s0 =	sadd.s32 s0, s24  }
0xc: {  	s25 =	ssub.s32 s8, s11;
	s6 =	sadd.s32 s6, s13;
	[dreg:$0x8] =	wrdreg s0  }
0xd: {  	[dreg:$0x7] =	wrdreg s6;
	s11 =	sadd.s32 s3, s26;
	s14 =	smax.u32 s25, $0x1  }
0xe: {  	[dreg:$0x9] =	wrdreg s14;
	s15 =	sadd.s32 $0x3600, s11  }
0xf: {  	s31 =	simm.s32 $0x8;
	s16 =	sadd.s32 $0x6C00, s11;
	[dreg:$0xa] =	wrdreg s15  }
0x10: {  	s30 =	simm.s32 $0x1;
	s17 =	sadd.s32 $0xA200, s11;
	[dreg:$0xb] =	wrdreg s16  }
0x11: {  	s10 =	smul.u32 $0x21000, s12;
	s18 =	sadd.s32 $0xD800, s11;
	[dreg:$0xc] =	wrdreg s17  }
0x12: {  	s9 =	simm.s32 $0x7;
	s19 =	sadd.s32 $0x10E00, s11;
	[dreg:$0xd] =	wrdreg s18  }
0x13: {  	s8 =	smul.u32 $0x3600, s4;
	s20 =	sadd.s32 $0x14400, s11;
	[dreg:$0xe] =	wrdreg s19  }
0x14: {  	s13 =	sshrl.u32 s10, $0x2;
	s21 =	sadd.s32 $0x17A00, s11;
	[dreg:$0xf] =	wrdreg s20  }
0x15: {  	s0 =	simm.s32 $0x2;
	s22 =	sadd.s32 $0x1B000, s11;
	[dreg:$0x10] =	wrdreg s21  }
0x16: {  	s10 =	simm.s32 $0x0;
	s23 =	sadd.s32 $0x1E600, s11;
	[dreg:$0x11] =	wrdreg s22  }
.Ltmp0:
0x17: {  	s24 =	sadd.s32 $0x21C00, s11;
	[dreg:$0x12] =	wrdreg s23;
	(pc) =	sbr.rel .LBB2_1-.Ltmp0, $4  }
0x18: {  	s4 =	sadd.s32 s13, s5;
	s25 =	sadd.s32 $0x25200, s11;
	[dreg:$0x13] =	wrdreg s24  }
0x19: {  	v1 =	vimm.f32 $0.0e+00;
	s6 =	simm.s32 $0x6C00;
	s26 =	sadd.s32 $0x28800, s11;
	[dreg:$0x14] =	wrdreg s25  }
0x1a: {  	v2 =	vimm.s32 $0xFFFFFFFF;
	v3 =	vlaneseq.u32;
	v5 =	vimm.s32 $0x0;
	s28 =	sadd.s32 $0x2F400, s11;
	s29 =	sadd.s32 $0x32A00, s11;
	[dreg:$0x15] =	wrdreg s26  }
0x1b: {  	v6 =	vimm.s32 $0x1000;
	v4 =	vmul.u32 $0x1000, v3;
	v0 =	vmov s8;
	s25 =	sshrl.u32 s4, $0x3;
	s26 =	sadd.s32 $0x2BE00, s11;
	s4 =	simm.s32 $0x3600  }
.LBB2_32:
0x1c: {  	[sflag:s9] =	ssyncadd.s32 $0xFFFFCA00  }
.LBB2_33:
0x1d: {  	s10 =	sadd.s32 $0x1, s10;
	s12 =	rddreg [dreg:$0x9]  }
0x1e: {  	p0 =	sne.s32 s10, s12  }
.Ltmp1:
0x1f: {  	_ = 	snop;
	(pc) =	sbr.rel @!p0 .LBB2_34-.Ltmp1, $1  }
0x20: {  	_ =	sdelay $0x3  }
.LBB2_1:
0x21: {  	s12 =	simm.s32 $0x0;
	s13 =	simm.s32 $0x200  }
.LBB2_2:
0x22: {  	p0 =	sne.s32 s13, $0x6A00;
	[tilespmem:s12+$0x14370] =	vst v1  }
0x23: {  	[tilespmem:s12+$0x14300] =	vst v1  }
0x24: {  	[tilespmem:s12+$0x14310] =	vst v1  }
.Ltmp2:
0x25: {  	[tilespmem:s12+$0x14320] =	vst v1;
	(pc) =	sbr.rel @p0 .LBB2_2-.Ltmp2, $4  }
0x26: {  	[tilespmem:s12+$0x14330] =	vst v1  }
0x27: {  	[tilespmem:s12+$0x14340] =	vst v1  }
0x28: {  	[tilespmem:s12+$0x14350] =	vst v1  }
0x29: {  	[tilespmem:s12+$0x14360] =	vst v1;
	s12 =	sshra.s32 s13, $0x2;
	s13 =	sadd.s32 $0x200, s13  }
0x2a: {  	[tilespmem:s12+$0x14370] =	vst v1  }
0x2b: {  	[tilespmem:s12+$0x14300] =	vst v1  }
0x2c: {  	[tilespmem:s12+$0x14310] =	vst v1  }
0x2d: {  	[tilespmem:s12+$0x14320] =	vst v1  }
0x2e: {  	[tilespmem:s12+$0x14330] =	vst v1  }
0x2f: {  	[tilespmem:s12+$0x14340] =	vst v1  }
0x30: {  	[tilespmem:s12+$0x14350] =	vst v1  }
0x31: {  	[tilespmem:s12+$0x14360] =	vst v1;
	s20 =	rddreg [dreg:$0x7];
	s13 =	simm.s32 $0x14300  }
0x32: {  	[spmem:s20] =	stream.linear.scatter [tilespmem:s13], [sflag:$0x8], $0x1B00, $0x38;
	[tilespmem:$0x1FE00] =	vst v63  }
0x33: {  	s21 =	stileid.u32;
	_ =	swait.ge [sflag:s31], $0x1B00  }
0x34: {  	s12 =	sshll.u32 s21, $0x6;
	[sflag:s31] =	ssyncset.done $0x0  }
0x35: {  	s22 =	sor.u32 $0x1C08, s12;
	s14 =	rddreg [dreg:$0x8];
	[sflag:s31] =	ssyncadd.s32 $0xFFFFE500  }
0x36: {  	[spmem:s25], [sflag:s22] =	dma.local [hbm:s14], $0x1080  }
0x37: {  	_ =	swait.ge [sflag:s31], $0x1080  }
0x38: {  	[sflag:s31] =	ssyncset.done $0x0  }
0x39: {  	[sflag:s31] =	ssyncadd.s32 $0xFFFFEF80  }
0x3a: {  	[bflag:$0x0] =	sbarrier.arrive $0xFFFF  }
0x3b: {  	s23 =	rddreg [dreg:$0x4]  }
0x3c: {  	s12 =	sor.u32 $0x1C07, s12;
	s13 =	sshrl.u32 s23, $0x3  }
0x3d: {  	[hbm:s11], [sflag:s12] =	dma.local [spmem:s13], $0x3600  }
0x3e: {  	s24 =	rddreg [dreg:$0xa]  }
0x3f: {  	[hbm:s24], [sflag:s12] =	dma.local [spmem:s13], $0x3600  }
0x40: {  	s14 =	rddreg [dreg:$0xb]  }
0x41: {  	[hbm:s14], [sflag:s12] =	dma.local [spmem:s13], $0x3600  }
0x42: {  	s14 =	rddreg [dreg:$0xc]  }
0x43: {  	[hbm:s14], [sflag:s12] =	dma.local [spmem:s13], $0x3600  }
0x44: {  	s14 =	rddreg [dreg:$0xd]  }
0x45: {  	[hbm:s14], [sflag:s12] =	dma.local [spmem:s13], $0x3600  }
0x46: {  	s14 =	rddreg [dreg:$0xe]  }
0x47: {  	[hbm:s14], [sflag:s12] =	dma.local [spmem:s13], $0x3600  }
0x48: {  	s14 =	rddreg [dreg:$0xf]  }
0x49: {  	[hbm:s14], [sflag:s12] =	dma.local [spmem:s13], $0x3600  }
0x4a: {  	s14 =	rddreg [dreg:$0x10]  }
0x4b: {  	[hbm:s14], [sflag:s12] =	dma.local [spmem:s13], $0x3600  }
0x4c: {  	s14 =	rddreg [dreg:$0x11]  }
0x4d: {  	[hbm:s14], [sflag:s12] =	dma.local [spmem:s13], $0x3600  }
0x4e: {  	s14 =	rddreg [dreg:$0x12]  }
0x4f: {  	[hbm:s14], [sflag:s12] =	dma.local [spmem:s13], $0x3600  }
0x50: {  	s14 =	rddreg [dreg:$0x13]  }
0x51: {  	[hbm:s14], [sflag:s12] =	dma.local [spmem:s13], $0x3600  }
0x52: {  	s14 =	rddreg [dreg:$0x14]  }
0x53: {  	[hbm:s14], [sflag:s12] =	dma.local [spmem:s13], $0x3600  }
0x54: {  	s14 =	rddreg [dreg:$0x15]  }
0x55: {  	[hbm:s14], [sflag:s12] =	dma.local [spmem:s13], $0x3600  }
0x56: {  	[hbm:s26], [sflag:s12] =	dma.local [spmem:s13], $0x3600  }
0x57: {  	[hbm:s28], [sflag:s12] =	dma.local [spmem:s13], $0x3600  }
0x58: {  	[hbm:s29], [sflag:s12] =	dma.local [spmem:s13], $0x3600  }
0x59: {  	s12 =	simm.s32 $0x40;
	s13 =	simm.s32 $0x0  }
.LBB2_4:
0x5a: {  	p0 =	sne.s32 s12, $0xD7C0;
	[tilespmem:s13+$0x0] =	vst v2;
	s13 =	smov.u32 s12;
	s12 =	sadd.s32 $0x40, s12  }
.Ltmp3:
0x5b: {  	(pc) =	sbr.rel @p0 .LBB2_4-.Ltmp3, $2  }
0x5c: {  	_ =	sdelay $0x2  }
0x5d: {  	s13 =	sshra.s32 s13, $0x2  }
.Ltmp4:
0x5e: {  	(pc) =	sbr.rel .LBB2_6-.Ltmp4, $4  }
0x5f: {  	[tilespmem:s13+$0x0] =	vst v2;
	s12 =	simm.s32 $0x0;
	s23 =	simm.s32 $0xA200  }
0x60: {  	[tilespmem:s23], [sflag:$0x1] =	stream.linear.gather [hbm4b:s1+s12], $0x7D0, $0x38;
	[tilespmem:$0x1FE00] =	vst v63  }
0x61: {  	s24 =	simm.s32 $0xAA00;
	s13 =	simm.s32 $0x7D0;
	s14 =	simm.s32 $0x0  }
0x62: {  	[tilespmem:s24], [sflag:$0x1] =	stream.linear.gather [hbm4b:s2+s12], $0x7D0, $0x38;
	[tilespmem:$0x1FE00] =	vst v63  }
.LBB2_12:
0x63: {  	s14 =	sadd.s32 $0x1, s14  }
0x64: {  	p0 =	sne.s32 s14, $0xD  }
.Ltmp5:
0x65: {  	_ = 	snop;
	(pc) =	sbr.rel @!p0 .LBB2_13-.Ltmp5, $2  }
0x66: {  	_ =	sdelay $0x2  }
0x67: {  	s12 =	sadd.s32 $0xFA0, s12;
	s13 =	sadd.s32 $0xFA0, s13  }
.LBB2_6:
0x68: {  	s15 =	sshllo.u32 s14, $0x1  }
0x69: {  	p0 =	sgt.u32 s15, $0x18  }
0x6a: {  	s16 =	smul.u32 @!p0 $0xFA, s15;
	_ =	sdelay $0x1  }
0x6b: {  	s18 =	simm.s32 @!p0 $0x0;
	s19 =	simm.s32 @!p0 $0xB200;
	s17 =	sadd.s32 @!p0 s1, s16  }
0x6c: {  	[tilespmem:s19], [sflag:$0x2] =	stream.linear.gather @!p0 [hbm4b:s17+s18], $0x7D0, $0x38;
	[tilespmem:$0x1FE00] =	vst v63  }
0x6d: {  	s16 =	sadd.s32 @!p0 s2, s16;
	s17 =	simm.s32 @!p0 $0xBA00  }
0x6e: {  	[tilespmem:s17], [sflag:$0x2] =	stream.linear.gather @!p0 [hbm4b:s16+s18], $0x7D0, $0x38;
	[tilespmem:$0x1FE00] =	vst v63  }
0x6f: {  	_ =	swait.ge [sflag:s30], $0x7D0  }
0x70: {  	[sflag:s30] =	ssyncset.done $0x0  }
0x71: {  	[sflag:s30] =	ssyncadd.s32 $0xFFFFF830  }
0x72: {  	_ =	swait.ge [sflag:s30], $0x7D0  }
0x73: {  	s16 =	smul.u32 $0xFA0, s14;
	[sflag:s30] =	ssyncset.done $0x0  }
0x74: {  	s17 =	smov.u32 s12;
	s18 =	simm.s32 $0x0;
	[sflag:s30] =	ssyncadd.s32 $0xFFFFF830  }
.LBB2_7:
0x75: {  	s19 =	sshra.s32 s18, $0x2  }
0x76: {  	v7 =	vld [tilespmem:s19+$0xA200];
	_ =	sdelay $0x4  }
0x77: {  	v7 =	vsub.s32 v7, v0  }
0x78: {  	vm0 =	vgt.s32 v7, $0x0  }
0x79: {  	v8 =	vld [tilespmem:s19+$0xAA00];
	vm1 =	vlt.u32 v7, $0x3600;
	v7 =	vnsel vm0, $0x0, v7  }
0x7a: {  	v7 =	vmin.u32 v7, $0x35FF  }
0x7b: {  	v9 =	vmov s17  }
0x7c: {  	v9 =	vshll.u32 v9, $0xC  }
0x7d: {  	v9 =	vor.u32 v4, v9  }
0x7e: {  	v8 =	vor.u32 v9, v8  }
0x7f: {  	[tilespmem:v7+s7+$0x0] =	vst.idx.msk vm1, v8  }
0x80: {  	v7 =	vld [tilespmem:s19+$0xA210];
	_ =	sdelay $0x4  }
0x81: {  	v7 =	vsub.s32 v7, v0  }
0x82: {  	vm14 =	vgt.s32 v7, $0x0  }
0x83: {  	v8 =	vld [tilespmem:s19+$0xAA10];
	vm15 =	vlt.u32 v7, $0x3600;
	v7 =	vnsel vm14, $0x0, v7  }
0x84: {  	s24 =	sadd.s32 $0x10, s17;
	p1 =	sne.s32 s18, $0x1E80;
	v7 =	vmin.u32 v7, $0x35FF  }
.Ltmp6:
0x85: {  	v63 =	vmov s24;
	(pc) =	sbr.rel @p1 .LBB2_7-.Ltmp6, $4  }
0x86: {  	v9 =	vshll.u32 v63, $0xC  }
0x87: {  	v9 =	vor.u32 v4, v9  }
0x88: {  	v8 =	vor.u32 v9, v8  }
0x89: {  	s17 =	sadd.s32 $0x20, s17;
	s18 =	sadd.s32 $0x80, s18;
	[tilespmem:v7+s7+$0x0] =	vst.idx.msk vm15, v8  }
0x8a: {  	v7 =	vld [tilespmem:$0xA9C0];
	_ =	sdelay $0x4  }
0x8b: {  	v7 =	vsub.s32 v7, v0  }
0x8c: {  	vm0 =	vgt.s32 v7, $0x0  }
0x8d: {  	v8 =	vld [tilespmem:$0xB1C0];
	vm1 =	vlt.u32 v7, $0x3600;
	v7 =	vnsel vm0, $0x0, v7  }
0x8e: {  	s17 =	sadd.s32 $0x7C0, s16;
	v7 =	vmin.u32 v7, $0x35FF  }
0x8f: {  	v9 =	vmov s17  }
0x90: {  	p1 =	seq.s32 s14, $0xC;
	v9 =	vshll.u32 v9, $0xC  }
0x91: {  	s16 =	sshrl.u32 @!p1 s16, $0x3;
	v9 =	vor.u32 v4, v9  }
.Ltmp7:
0x92: {  	s16 =	sadd.s32 @!p1 $0x1F4, s16;
	v8 =	vor.u32 v9, v8;
	(pc) =	sbr.rel @p0 .LBB2_12-.Ltmp7, $4  }
0x93: {  	s18 =	simm.s32 @!p1 $0x0;
	s19 =	simm.s32 @!p1 $0xA200;
	s17 =	sadd.s32 @!p1 s1, s16;
	[tilespmem:v7+s7+$0x0] =	vst.idx.msk vm1, v8  }
0x94: {  	[tilespmem:s19], [sflag:$0x1] =	stream.linear.gather @!p1 [hbm4b:s17+s18], $0x7D0, $0x38;
	[tilespmem:$0x1FE00] =	vst v63  }
0x95: {  	s16 =	sadd.s32 @!p1 s2, s16;
	s17 =	simm.s32 @!p1 $0xAA00  }
0x96: {  	[tilespmem:s17], [sflag:$0x1] =	stream.linear.gather @!p1 [hbm4b:s16+s18], $0x7D0, $0x38;
	[tilespmem:$0x1FE00] =	vst v63  }
0x97: {  	_ =	swait.ge [sflag:s0], $0x7D0  }
0x98: {  	[sflag:s0] =	ssyncset.done $0x0  }
0x99: {  	[sflag:s0] =	ssyncadd.s32 $0xFFFFF830  }
0x9a: {  	_ =	swait.ge [sflag:s0], $0x7D0  }
0x9b: {  	s15 =	smul.u32 $0x7D0, s15;
	[sflag:s0] =	ssyncset.done $0x0  }
0x9c: {  	s16 =	simm.s32 $0x0;
	s17 =	smov.u32 s13;
	[sflag:s0] =	ssyncadd.s32 $0xFFFFF830  }
.LBB2_10:
0x9d: {  	s18 =	sshra.s32 s16, $0x2  }
0x9e: {  	v7 =	vld [tilespmem:s18+$0xB200];
	_ =	sdelay $0x4  }
0x9f: {  	v7 =	vsub.s32 v7, v0  }
0xa0: {  	vm0 =	vgt.s32 v7, $0x0  }
0xa1: {  	v8 =	vld [tilespmem:s18+$0xBA00];
	vm1 =	vlt.u32 v7, $0x3600;
	v7 =	vnsel vm0, $0x0, v7  }
0xa2: {  	v7 =	vmin.u32 v7, $0x35FF  }
0xa3: {  	v9 =	vmov s17  }
0xa4: {  	v9 =	vshll.u32 v9, $0xC  }
0xa5: {  	v9 =	vor.u32 v4, v9  }
0xa6: {  	v8 =	vor.u32 v9, v8  }
0xa7: {  	[tilespmem:v7+s7+$0x0] =	vst.idx.msk vm1, v8  }
0xa8: {  	v7 =	vld [tilespmem:s18+$0xB210];
	_ =	sdelay $0x4  }
0xa9: {  	v7 =	vsub.s32 v7, v0  }
0xaa: {  	vm14 =	vgt.s32 v7, $0x0  }
0xab: {  	v8 =	vld [tilespmem:s18+$0xBA10];
	vm15 =	vlt.u32 v7, $0x3600;
	v7 =	vnsel vm14, $0x0, v7  }
0xac: {  	s24 =	sadd.s32 $0x10, s17;
	p0 =	sne.s32 s16, $0x1E80;
	v7 =	vmin.u32 v7, $0x35FF  }
.Ltmp8:
0xad: {  	v63 =	vmov s24;
	(pc) =	sbr.rel @p0 .LBB2_10-.Ltmp8, $4  }
0xae: {  	v9 =	vshll.u32 v63, $0xC  }
0xaf: {  	v9 =	vor.u32 v4, v9  }
0xb0: {  	v8 =	vor.u32 v9, v8  }
0xb1: {  	s17 =	sadd.s32 $0x20, s17;
	s16 =	sadd.s32 $0x80, s16;
	[tilespmem:v7+s7+$0x0] =	vst.idx.msk vm15, v8  }
0xb2: {  	v7 =	vld [tilespmem:$0xB9C0];
	_ =	sdelay $0x4  }
0xb3: {  	v7 =	vsub.s32 v7, v0  }
0xb4: {  	vm0 =	vgt.s32 v7, $0x0  }
0xb5: {  	v8 =	vld [tilespmem:$0xC1C0];
	vm1 =	vlt.u32 v7, $0x3600;
	v7 =	vnsel vm0, $0x0, v7  }
0xb6: {  	s15 =	sadd.s32 $0x7C0, s15;
	v7 =	vmin.u32 v7, $0x35FF  }
.Ltmp9:
0xb7: {  	v9 =	vmov s15;
	(pc) =	sbr.rel .LBB2_12-.Ltmp9, $4  }
0xb8: {  	v9 =	vshll.u32 v9, $0xC  }
0xb9: {  	v9 =	vor.u32 v4, v9  }
0xba: {  	v8 =	vor.u32 v9, v8  }
0xbb: {  	[tilespmem:v7+s7+$0x0] =	vst.idx.msk vm1, v8  }
.LBB2_13:
0xbc: {  	s12 =	simm.s32 $0x0  }
0xbd: {  	v7 =	vld [tilespmem:s12+$0x0];
	_ =	sdelay $0x4  }
0xbe: {  	vm0 =	vgt.s32 v7, $0xFFFFFFFF  }
0xbf: {  	v8 =	vsel vm0, $0x1, v5  }
0xc0: {  	(xrf0) =	vadd.scan.msk.s32 $0xffff, v8;
	_ =	sdelay $0x1  }
0xc1: {  	v8 =	vor.u32 s12, v3  }
0xc2: {  	v9 =	vadd.s32 v0, v8;
	_ =	sdelay $0x2  }
0xc3: {  	[tilespmem:s12+$0x3600] =	vst.msk vm0, v9;
	v9, _, _ =	vpop (xrf0)  }
0xc4: {  	(v2sf) =	vpush v9, $0xF  }
0xc5: {  	v10 =	vimm.s32 $0x3600;
	v7 =	vand.u32 $0xFFF, v7;
	v8 =	vsel vm0, $0x3600, v8  }
0xc6: {  	s13 =	simm.s32 $0x10;
	vm1 =	vlt.s32 v10, v8;
	[tilespmem:s12+$0x6C00] =	vst.msk vm0, v7  }
0xc7: {  	s14 =	simm.s32 $0x20;
	s15 =	simm.s32 $0x10;
	v7 =	vsel vm1, v10, v8;
	v8 =	vld [tilespmem:s13+$0x0]  }
.LBB2_14:
0xc8: {  	p0 =	sne.s32 s14, $0x35F0;
	_ =	sdelay $0x3  }
0xc9: {  	v9 =	vor.u32 s13, v3;
	s13 =	smov.u32 s14;
	vm0 =	vgt.s32 v8, $0xFFFFFFFF;
	v8 =	vand.u32 $0xFFF, v8  }
0xca: {  	v10 =	vsel vm0, $0x1, v5;
	v11 =	vsel vm0, $0x3600, v9  }
0xcb: {  	vm1 =	vlt.s32 v7, v11;
	(xrf0) =	vadd.scan.msk.s32 $0xffff, v10  }
0xcc: {  	v7 =	vsel vm1, v7, v11;
	_ =	sdelay $0x3  }
0xcd: {  	s16 =	spop (v2sf)  }
.Ltmp10:
0xce: {  	v9 =	vadd.s32 v0, v9;
	v10, _, _ =	vpop (xrf0);
	s12 =	sadd.s32 s12, s16;
	(pc) =	sbr.rel @p0 .LBB2_14-.Ltmp10, $4  }
0xcf: {  	[tilespmem:s12+$0x3600] =	vst.msk vm0, v9;
	(v2sf) =	vpush v10, $0xF  }
0xd0: {  	[tilespmem:s12+$0x6C00] =	vst.msk vm0, v8  }
0xd1: {  	s15 =	sadd.s32 $0x10, s15  }
0xd2: {  	s14 =	sadd.s32 $0x10, s14;
	v8 =	vld [tilespmem:s15+$0x0]  }
0xd3: {  	_ =	sdelay $0x3  }
0xd4: {  	vm0 =	vgt.s32 v8, $0xFFFFFFFF  }
0xd5: {  	v9 =	vsel vm0, $0x1, v5  }
0xd6: {  	(xrf0) =	vadd.scan.msk.s32 $0xffff, v9;
	_ =	sdelay $0x1  }
0xd7: {  	v9 =	vor.u32 s13, v3  }
0xd8: {  	v10 =	vsel vm0, $0x3600, v9;
	_ =	sdelay $0x1  }
0xd9: {  	vm1 =	vlt.s32 v7, v10  }
0xda: {  	v7 =	vsel vm1, v7, v10;
	v10, _, _ =	vpop (xrf0)  }
0xdb: {  	(v2sf) =	vpush v10, $0xF  }
0xdc: {  	v7 =	vxor.u32 $0x80000000, v7  }
0xdd: {  	(xrf0) =	vmin.scan.msk.u32 $0xffff, v7;
	_ =	sdelay $0x5  }
0xde: {  	v7, _, _ =	vpop (xrf0)  }
0xdf: {  	(v2sf) =	vpush v7, $0xF;
	_ =	sdelay $0x4  }
0xe0: {  	s21 =	spop (v2sf)  }
0xe1: {  	s15 =	sadd.s32 s12, s21;
	s14 =	spop (v2sf)  }
0xe2: {  	s12 =	sadd.s32 s15, s14  }
0xe3: {  	s22 =	sand.u32 $0xF, s12  }
0xe4: {  	p0 =	slt.s32 s12, $0x1;
	p1 =	sne.s32 s22, $0x0  }
0xe5: {  	s23 =	sshra.s32 s12, $0x1F;
	p0 =	por !p0, !p1  }
0xe6: {  	s14 =	simm.s32 $0xFFFFFFFF;
	s13 =	sshrl.u32 s23, $0x1C;
	p0 =	por !p0, !p0  }
0xe7: {  	s16 =	sadd.s32 s13, s12;
	s14 =	simm.s32 @!p0 $0x0  }
0xe8: {  	s17 =	sand.u32 $0xFFFFFFF0, s16;
	s13 =	sshll.u32 s14, $0x4  }
0xe9: {  	s14 =	sadd.s32 s13, s17  }
0xea: {  	s18 =	spop (v2sf);
	s24 =	sadd.s32 $0x0, s14  }
0xeb: {  	v8 =	vand.u32 $0xFFF, v8;
	s17 =	sxor.u32 $0x80000000, s18;
	v10 =	vor.u32 s24, v3  }
0xec: {  	v9 =	vadd.s32 v0, v9;
	v7 =	vmov s12;
	p0 =	sgt.s32 s17, $0x35FF;
	vm1 =	vgt.s32 v10, $0x0  }
0xed: {  	[tilespmem:s15+$0x3600] =	vst.msk vm0, v9;
	s17 =	simm.s32 @p0 $0x0;
	vm2 =	vge.s32 v10, v7;
	v9 =	vnsel vm1, $0x0, v10;
	vm1 =	vlt.s32 v10, $0x3600  }
0xee: {  	[tilespmem:s15+$0x6C00] =	vst.msk vm0, v8;
	s17 =	sadd.s32 s8, s17;
	vm0 =	vmand vm2, vm1  }
0xef: {  	s15 =	sshra.s32 s16, $0x4;
	s16 =	simm.s32 $0x10;
	v8 =	vmov s17;
	v9 =	vmin.u32 v9, $0x35FF  }
.LBB2_16:
0xf0: {  	p0 =	sne.s32 s16, $0x70  }
.Ltmp11:
0xf1: {  	s17 =	sadd.s32 s16, s14;
	s16 =	sadd.s32 $0x10, s16;
	(pc) =	sbr.rel @p0 .LBB2_16-.Ltmp11, $4  }
0xf2: {  	v10 =	vor.u32 s17, v3  }
0xf3: {  	vm1 =	vge.s32 v10, v7;
	vm2 =	vlt.s32 v10, $0x3600;
	vm3 =	vgt.s32 v10, $0x0  }
0xf4: {  	v10 =	vnsel vm3, $0x0, v10;
	[tilespmem:v9+s4+$0x0] =	vst.idx.msk vm0, v8;
	vm0 =	vmand vm1, vm2  }
0xf5: {  	v9 =	vmin.u32 v10, $0x35FF  }
0xf6: {  	s14 =	sshll.u32 s15, $0x4  }
0xf7: {  	s13 =	sadd.s32 s13, s14  }
0xf8: {  	s14 =	sadd.s32 $0x0, s13  }
0xf9: {  	v10 =	vor.u32 s14, v3  }
0xfa: {  	vm1 =	vgt.s32 v10, $0x0;
	vm2 =	vge.s32 v10, v7;
	vm3 =	vlt.s32 v10, $0x3600  }
0xfb: {  	[tilespmem:v9+s4+$0x0] =	vst.idx.msk vm0, v8;
	v10 =	vnsel vm1, $0x0, v10;
	vm0 =	vmand vm2, vm3  }
0xfc: {  	s14 =	simm.s32 $0x10;
	v8 =	vmin.u32 v10, $0x35FF  }
.LBB2_18:
0xfd: {  	p0 =	sne.s32 s14, $0x70  }
.Ltmp12:
0xfe: {  	s15 =	sadd.s32 s14, s13;
	s14 =	sadd.s32 $0x10, s14;
	(pc) =	sbr.rel @p0 .LBB2_18-.Ltmp12, $4  }
0xff: {  	v9 =	vor.u32 s15, v3  }
0x100: {  	vm1 =	vge.s32 v9, v7;
	vm2 =	vlt.s32 v9, $0x3600;
	vm3 =	vgt.s32 v9, $0x0  }
0x101: {  	v9 =	vnsel vm3, $0x0, v9;
	[tilespmem:v8+s6+$0x0] =	vst.idx.msk vm0, v6;
	vm0 =	vmand vm1, vm2  }
0x102: {  	v8 =	vmin.u32 v9, $0x35FF  }
0x103: {  	s12 =	sadd.s32 $0x7F, s12  }
0x104: {  	s13 =	sand.u32 $0x7F, s12  }
0x105: {  	s14 =	sshra.s32 s12, $0x1F;
	p0 =	slt.s32 s12, $0x1;
	p1 =	sne.s32 s13, $0x0  }
.Ltmp13:
0x106: {  	s24 =	sshrl.u32 s14, $0x19;
	p0 =	por !p0, !p1;
	(pc) =	sbr.rel .LBB2_20-.Ltmp13, $4  }
0x107: {  	s13 =	simm.s32 $0x1;
	s12 =	sadd.s32 s24, s12;
	p0 =	por !p0, !p0  }
0x108: {  	s12 =	sshra.s32 s12, $0x7;
	s13 =	simm.s32 @!p0 $0x0  }
0x109: {  	s12 =	ssub.s32 s12, s13  }
0x10a: {  	[tilespmem:v8+s6+$0x0] =	vst.idx.msk vm0, v6;
	s17 =	simm.s32 $0x0;
	s14 =	simm.s32 $0x0;
	s13 =	sadd.s32 $0xFFFFFFFF, s12  }
.LBB2_27:
0x10b: {  	[sflag:s9] =	ssyncadd.s32 $0xFFFFCA00;
	s17 =	smov.u32 s19  }
.LBB2_28:
0x10c: {  	s16 =	simm.s32 @!p0 $0x4  }
0x10d: {  	_ =	swait.ge @!p0 [sflag:s16], $0x4000  }
0x10e: {  	s20 =	simm.s32 @!p0 $0xC280;
	s21 =	simm.s32 @!p0 $0x10300;
	[sflag:s16] =	ssyncset.done @!p0 $0x0  }
0x10f: {  	s14 =	sadd.s32 $0x1, s14;
	[sflag:s16] =	ssyncadd.s32 @!p0 $0xFFFFC000;
	s16 =	simm.s32 @!p0 $0x80  }
0x110: {  	[hbm4b:s3+s16] =	stream.indirect.scatter @!p0 [tilespmem:s21], [sflag:$0x6], $0x80, s20, s16, $0xb8;
	[tilespmem:$0x1FE00] =	vst v63  }
0x111: {  	p0 =	sne.s32 s14, $0x36  }
.Ltmp14:
0x112: {  	_ = 	snop;
	(pc) =	sbr.rel @!p0 .LBB2_29-.Ltmp14, $1  }
0x113: {  	_ =	sdelay $0x3  }
.LBB2_20:
0x114: {  	s18 =	sshll.u32 s14, $0x1;
	p0 =	seq.s32 s14, $0x0  }
0x115: {  	p1 =	sge.s32 @!p0 s18, s12  }
0x116: {  	p2 =	por p1, p0  }
0x117: {  	s15 =	simm.s32 @!p2 $0x5  }
0x118: {  	p1 =	sge.s32 s18, s12;
	_ =	swait.ge @!p2 [sflag:s15], $0x4000  }
0x119: {  	s16 =	sshll.u32 @!p1 s14, $0x8;
	[sflag:s15] =	ssyncset.done @!p2 $0x0  }
0x11a: {  	[sflag:s15] =	ssyncadd.s32 @!p2 $0xFFFFC000;
	s15 =	sand.u32 @!p1 $0x3FFFFF00, s16  }
0x11b: {  	v7 =	vld @!p1 [tilespmem:s15+$0x3600];
	_ =	sdelay $0x4  }
0x11c: {  	[tilespmem:$0xC200] =	vst @!p1 v7  }
0x11d: {  	v7 =	vld @!p1 [tilespmem:s15+$0x3610];
	_ =	sdelay $0x4  }
0x11e: {  	[tilespmem:$0xC210] =	vst @!p1 v7  }
0x11f: {  	v7 =	vld @!p1 [tilespmem:s15+$0x3620];
	_ =	sdelay $0x4  }
0x120: {  	[tilespmem:$0xC220] =	vst @!p1 v7  }
0x121: {  	v7 =	vld @!p1 [tilespmem:s15+$0x3630];
	_ =	sdelay $0x4  }
0x122: {  	[tilespmem:$0xC230] =	vst @!p1 v7  }
0x123: {  	v7 =	vld @!p1 [tilespmem:s15+$0x3640];
	_ =	sdelay $0x4  }
0x124: {  	[tilespmem:$0xC240] =	vst @!p1 v7  }
0x125: {  	v7 =	vld @!p1 [tilespmem:s15+$0x3650];
	_ =	sdelay $0x4  }
0x126: {  	[tilespmem:$0xC250] =	vst @!p1 v7  }
0x127: {  	v7 =	vld @!p1 [tilespmem:s15+$0x3660];
	_ =	sdelay $0x4  }
0x128: {  	[tilespmem:$0xC260] =	vst @!p1 v7  }
0x129: {  	v7 =	vld @!p1 [tilespmem:s15+$0x3670];
	_ =	sdelay $0x2  }
0x12a: {  	s16 =	sor.u32 $0x1, s18  }
0x12b: {  	s19 =	simm.s32 @!p1 $0x80;
	p2 =	sge.s32 @!p0 s16, s12  }
0x12c: {  	s20 =	simm.s32 @!p1 $0xC300;
	p2 =	por p2, p0;
	s15 =	sadd.s32 @!p1 $0x6C00, s15;
	[tilespmem:$0xC270] =	vst @!p1 v7  }
0x12d: {  	[tilespmem:s20], [sflag:$0x3] =	stream.indirect.gather @!p1 [spmem:s5], $0x80, s15, s19, $0xb8;
	[tilespmem:$0x1FE00] =	vst v63  }
0x12e: {  	s15 =	simm.s32 @!p2 $0x6  }
0x12f: {  	p0 =	sge.s32 s16, s12;
	_ =	swait.ge @!p2 [sflag:s15], $0x4000  }
0x130: {  	s21 =	sshll.u32 @!p0 s16, $0x7;
	[sflag:s15] =	ssyncset.done @!p2 $0x0  }
0x131: {  	[sflag:s15] =	ssyncadd.s32 @!p2 $0xFFFFC000;
	s15 =	sand.u32 @!p0 $0x3FFFFF80, s21  }
0x132: {  	v7 =	vld @!p0 [tilespmem:s15+$0x3600];
	_ =	sdelay $0x4  }
0x133: {  	[tilespmem:$0xC280] =	vst @!p0 v7  }
0x134: {  	v7 =	vld @!p0 [tilespmem:s15+$0x3610];
	_ =	sdelay $0x4  }
0x135: {  	[tilespmem:$0xC290] =	vst @!p0 v7  }
0x136: {  	v7 =	vld @!p0 [tilespmem:s15+$0x3620];
	_ =	sdelay $0x4  }
0x137: {  	[tilespmem:$0xC2A0] =	vst @!p0 v7  }
0x138: {  	v7 =	vld @!p0 [tilespmem:s15+$0x3630];
	_ =	sdelay $0x4  }
0x139: {  	[tilespmem:$0xC2B0] =	vst @!p0 v7  }
0x13a: {  	v7 =	vld @!p0 [tilespmem:s15+$0x3640];
	_ =	sdelay $0x4  }
0x13b: {  	[tilespmem:$0xC2C0] =	vst @!p0 v7  }
0x13c: {  	v7 =	vld @!p0 [tilespmem:s15+$0x3650];
	_ =	sdelay $0x4  }
0x13d: {  	[tilespmem:$0xC2D0] =	vst @!p0 v7  }
0x13e: {  	v7 =	vld @!p0 [tilespmem:s15+$0x3660];
	_ =	sdelay $0x3  }
0x13f: {  	s23 =	sshll.u32 s14, $0x8  }
0x140: {  	[tilespmem:$0xC2E0] =	vst @!p0 v7;
	v7 =	vmov s23  }
0x141: {  	v8 =	vld @!p0 [tilespmem:s15+$0x3670];
	v7 =	vor.u32 $0x7F, v7  }
0x142: {  	v7 =	vbroadcast v7, $0x0;
	_ =	sdelay $0x3  }
0x143: {  	s22 =	simm.s32 @!p0 $0x10300;
	s21 =	simm.s32 @!p0 $0x80;
	s15 =	sadd.s32 @!p0 $0x6C00, s15;
	[tilespmem:$0xC2F0] =	vst @!p0 v8  }
0x144: {  	[tilespmem:s22], [sflag:$0x4] =	stream.indirect.gather @!p0 [spmem:s5], $0x80, s15, s21, $0xb8;
	[tilespmem:$0x1FE00] =	vst v63  }
0x145: {  	v7 =	vld.idx.msk [tilespmem:v7+s4+$0x0], $0xffff;
	_ =	sdelay $0x4  }
0x146: {  	v7 =	vxor.u32 $0x80000000, v7  }
0x147: {  	(xrf0) =	vmax.scan.msk.u32 $0xffff, v7;
	_ =	sdelay $0x5  }
0x148: {  	v7, _, _ =	vpop (xrf0)  }
0x149: {  	(v2sf) =	vpush v7, $0xF;
	_ =	sdelay $0xe  }
0x14a: {  	s24 =	spop (v2sf)  }
0x14b: {  	s15 =	sxor.u32 $0x80000000, s24  }
0x14c: {  	s21 =	ssub.s32 s15, s8  }
0x14d: {  	s22 =	smulhi.u32 $0x4BDA12F7, s21;
	s23 =	sshra.s32 s21, $0x1F  }
0x14e: {  	s24 =	smul.u32 $0x4BDA12F7, s23;
	_ =	sdelay $0x1  }
0x14f: {  	s22 =	sadd.s32 s24, s22  }
0x150: {  	s24 =	sshrl.u32 s22, $0x1F;
	s22 =	sshra.s32 s22, $0x8  }
0x151: {  	p2 =	sne.s32 s15, s8;
	s15 =	simm.s32 $0x1;
	s22 =	sadd.s32 s24, s22  }
0x152: {  	s15 =	simm.s32 @!p2 $0x0;
	s24 =	smul.u32 $0xFFFFFCA0, s22  }
0x153: {  	s21 =	ssub.s32 $0x0, s21;
	s15 =	sor.u32 s15, s23  }
0x154: {  	p6 =	sne.s32 s15, $0x1;
	p3 =	sne.s32 s24, s21  }
0x155: {  	p2 =	por !p3, !p6  }
0x156: {  	s15 =	simm.s32 $0x1;
	p2 =	por !p2, !p2  }
0x157: {  	s15 =	simm.s32 @!p2 $0x0  }
0x158: {  	s15 =	ssub.s32 s22, s15  }
0x159: {  	p2 =	seq.s32 s18, s13;
	s15 =	sadd.s32 $0x1, s15  }
0x15a: {  	p3 =	slt.s32 s18, s12;
	s15 =	simm.s32 @p2 $0x10  }
0x15b: {  	s15 =	simm.s32 @!p3 $0x0  }
0x15c: {  	p2 =	sle.s32 s15, s17  }
.Ltmp15:
0x15d: {  	_ = 	snop;
	(pc) =	sbr.rel @p2 .LBB2_24-.Ltmp15, $2  }
0x15e: {  	_ =	sdelay $0x2  }
0x15f: {  	s18 =	smov.u32 s17  }
0x160: {  	s17 =	ssub.s32 s15, s18  }
0x161: {  	p2 =	sne.s32 s17, $0x1  }
.Ltmp16:
0x162: {  	_ = 	snop;
	(pc) =	sbr.rel @!p2 .LBB2_23-.Ltmp16, $3  }
0x163: {  	_ =	sdelay $0x1  }
0x164: {  	_ =	swait.ge [sflag:s9], $0x3600  }
0x165: {  	s17 =	sadd.s32 $0xFFFFFFFF, s17;
	[sflag:s9] =	ssyncset.done $0x0  }
.LBB2_22:
0x166: {  	p2 =	sne.s32 s17, $0x1;
	s17 =	sadd.s32 $0xFFFFFFFF, s17;
	[sflag:s9] =	ssyncadd.s32 $0xFFFFCA00  }
.Ltmp17:
0x167: {  	(pc) =	sbr.rel @p2 .LBB2_22-.Ltmp17, $3  }
0x168: {  	_ =	sdelay $0x1  }
0x169: {  	_ =	swait.ge [sflag:s9], $0x3600  }
0x16a: {  	[sflag:s9] =	ssyncset.done $0x0  }
.LBB2_23:
0x16b: {  	[sflag:s9] =	ssyncadd.s32 $0xFFFFCA00;
	s17 =	smov.u32 s15  }
.LBB2_24:
0x16c: {  	s21 =	sshll.u32 s16, $0x7  }
0x16d: {  	v7 =	vmov s21  }
0x16e: {  	v7 =	vor.u32 $0x7F, v7  }
0x16f: {  	v7 =	vbroadcast v7, $0x0  }
0x170: {  	s21 =	simm.s32 @!p1 $0x3  }
0x171: {  	_ =	swait.ge @!p1 [sflag:s21], $0x4000  }
0x172: {  	[sflag:s21] =	ssyncset.done @!p1 $0x0  }
0x173: {  	[sflag:s21] =	ssyncadd.s32 @!p1 $0xFFFFC000;
	s21 =	simm.s32 @!p1 $0xC200  }
0x174: {  	[hbm4b:s3+s19] =	stream.indirect.scatter @!p1 [tilespmem:s20], [sflag:$0x5], $0x80, s21, s19, $0xb8;
	[tilespmem:$0x1FE00] =	vst v63  }
0x175: {  	v7 =	vld.idx.msk [tilespmem:v7+s4+$0x0], $0xffff;
	_ =	sdelay $0x4  }
0x176: {  	v7 =	vxor.u32 $0x80000000, v7  }
0x177: {  	(xrf0) =	vmax.scan.msk.u32 $0xffff, v7;
	_ =	sdelay $0x5  }
0x178: {  	v7, _, _ =	vpop (xrf0)  }
0x179: {  	(v2sf) =	vpush v7, $0xF;
	_ =	sdelay $0xe  }
0x17a: {  	s23 =	spop (v2sf)  }
0x17b: {  	s19 =	sxor.u32 $0x80000000, s23  }
0x17c: {  	s20 =	ssub.s32 s19, s8  }
0x17d: {  	s24 =	smulhi.u32 $0x4BDA12F7, s20;
	s22 =	sshra.s32 s20, $0x1F  }
0x17e: {  	s23 =	smul.u32 $0x4BDA12F7, s22;
	_ =	sdelay $0x1  }
0x17f: {  	s21 =	sadd.s32 s23, s24  }
0x180: {  	s23 =	sshrl.u32 s21, $0x1F;
	s21 =	sshra.s32 s21, $0x8  }
0x181: {  	p1 =	sne.s32 s19, s8;
	s19 =	simm.s32 $0x1;
	s21 =	sadd.s32 s23, s21  }
0x182: {  	s19 =	simm.s32 @!p1 $0x0;
	s23 =	smul.u32 $0xFFFFFCA0, s21  }
0x183: {  	s20 =	ssub.s32 $0x0, s20;
	s19 =	sor.u32 s19, s22  }
0x184: {  	p6 =	sne.s32 s19, $0x1;
	p2 =	sne.s32 s23, s20  }
0x185: {  	p1 =	por !p2, !p6  }
0x186: {  	s19 =	simm.s32 $0x1;
	p1 =	por !p1, !p1  }
0x187: {  	s19 =	simm.s32 @!p1 $0x0  }
0x188: {  	s19 =	ssub.s32 s21, s19  }
0x189: {  	p1 =	seq.s32 s16, s13;
	s19 =	sadd.s32 $0x1, s19  }
0x18a: {  	p2 =	slt.s32 s16, s12;
	s19 =	simm.s32 @p1 $0x10  }
0x18b: {  	s19 =	simm.s32 @!p2 $0x0  }
0x18c: {  	p1 =	sle.s32 s19, s17  }
.Ltmp18:
0x18d: {  	_ = 	snop;
	(pc) =	sbr.rel @p1 .LBB2_28-.Ltmp18, $1  }
0x18e: {  	_ =	sdelay $0x3  }
0x18f: {  	s16 =	ssub.s32 s19, s17  }
0x190: {  	p1 =	sne.s32 s16, $0x1  }
.Ltmp19:
0x191: {  	_ = 	snop;
	(pc) =	sbr.rel @!p1 .LBB2_27-.Ltmp19, $3  }
0x192: {  	_ =	sdelay $0x1  }
0x193: {  	_ =	swait.ge [sflag:s9], $0x3600  }
0x194: {  	s16 =	sadd.s32 $0xFFFFFFFF, s16;
	[sflag:s9] =	ssyncset.done $0x0  }
.LBB2_26:
0x195: {  	p1 =	sne.s32 s16, $0x1;
	s16 =	sadd.s32 $0xFFFFFFFF, s16;
	[sflag:s9] =	ssyncadd.s32 $0xFFFFCA00  }
.Ltmp20:
0x196: {  	(pc) =	sbr.rel @p1 .LBB2_26-.Ltmp20, $3  }
0x197: {  	_ =	sdelay $0x1  }
0x198: {  	_ =	swait.ge [sflag:s9], $0x3600  }
0x199: {  	[sflag:s9] =	ssyncset.done $0x0  }
.Ltmp21:
0x19a: {  	_ = 	snop;
	(pc) =	sbr.rel .LBB2_27-.Ltmp21, $1  }
0x19b: {  	_ =	sdelay $0x3  }
.LBB2_29:
0x19c: {  	p0 =	slt.s32 s12, $0x1  }
0x19d: {  	s13 =	simm.s32 @!p0 $0x5  }
0x19e: {  	_ =	swait.ge @!p0 [sflag:s13], $0x4000  }
0x19f: {  	p1 =	seq.s32 @!p0 s12, $0x1;
	[sflag:s13] =	ssyncset.done @!p0 $0x0  }
0x1a0: {  	p1 =	por p1, p0;
	[sflag:s13] =	ssyncadd.s32 @!p0 $0xFFFFC000;
	p0 =	sgt.s32 s17, $0xF  }
.Ltmp22:
0x1a1: {  	_ = 	snop;
	(pc) =	sbr.rel @p0 .LBB2_33-.Ltmp22, $4  }
0x1a2: {  	s12 =	simm.s32 @!p1 $0x6  }
0x1a3: {  	_ =	swait.ge @!p1 [sflag:s12], $0x4000  }
0x1a4: {  	[sflag:s12] =	ssyncset.done @!p1 $0x0  }
0x1a5: {  	[sflag:s12] =	ssyncadd.s32 @!p1 $0xFFFFC000  }
0x1a6: {  	p0 =	sgt.s32 s15, s19  }
0x1a7: {  	s19 =	smov.u32 @p0 s15  }
0x1a8: {  	p0 =	sgt.s32 s19, s18  }
0x1a9: {  	s18 =	smov.u32 @p0 s19  }
0x1aa: {  	s12 =	ssub.s32 $0x10, s18  }
0x1ab: {  	p0 =	sne.s32 s12, $0x1  }
.Ltmp23:
0x1ac: {  	_ = 	snop;
	(pc) =	sbr.rel @!p0 .LBB2_32-.Ltmp23, $3  }
0x1ad: {  	_ =	sdelay $0x1  }
0x1ae: {  	_ =	swait.ge [sflag:s9], $0x3600  }
0x1af: {  	[sflag:s9] =	ssyncset.done $0x0;
	s12 =	sadd.s32 $0xFFFFFFFF, s12  }
.LBB2_31:
0x1b0: {  	p0 =	sne.s32 s12, $0x1;
	s12 =	sadd.s32 $0xFFFFFFFF, s12;
	[sflag:s9] =	ssyncadd.s32 $0xFFFFCA00  }
.Ltmp24:
0x1b1: {  	(pc) =	sbr.rel @p0 .LBB2_31-.Ltmp24, $3  }
0x1b2: {  	_ =	sdelay $0x1  }
0x1b3: {  	_ =	swait.ge [sflag:s9], $0x3600  }
0x1b4: {  	[sflag:s9] =	ssyncset.done $0x0  }
.Ltmp25:
0x1b5: {  	_ = 	snop;
	(pc) =	sbr.rel .LBB2_32-.Ltmp25, $1  }
0x1b6: {  	_ =	sdelay $0x3  }
.LBB2_34:
0x1b7: {  	_ =	sfence.sel $0x180000  }
0x1b8: {  	[bflag:$0x0] =	sbarrier.arrive $0xFFFF  }
0x1b9: {  	_ =	strace $0x90000047  }
0x1ba: {  	s0 =	stileid.u32;
	[bflag:$0x2] =	sbarrier.arrive $0xFFFF  }
0x1bb: {  	p0 =	sne.s32 s0, $0x0;
	s0 =	rddreg [dreg:$0x6]  }
0x1bc: {  	s0 =	sadd.s32 @!p0 $0x100000, s0  }
0x1bd: {  	[sflag:s0] =	ssyncadd.tile.s32 @!p0 $0x1;
	_ =	shalt  }
.Lfunc_end2:
_tile_overlayer_lowered:
.L_overlay_start_2:
0x1be: {  	(tag) =	ssettag $0x2  }
0x1bf: {  	s0 =	rddreg [dreg:$0x0];
	s2 =	stileid.u32  }
0x1c0: {  	s1 =	rddreg [dreg:$0x1];
	p0 =	sne.s32 s2, $0x0  }
0x1c1: {  	s3 =	rddreg [dreg:$0x2];
	[bflag:$0x3] =	sbarrier.arrive $0xFFFF;
	s2 =	simm.s32 @!p0 $0x1C08  }
0x1c2: {  	[timem:s3], [sflag:s2] =	dma.local @!p0 [hbm:s0], s1  }
0x1c3: {  	s0 =	simm.s32 @!p0 $0x8  }
0x1c4: {  	_ =	swait.ge @!p0 [sflag:s0], s1  }
0x1c5: {  	s1 =	ssub.s32 @!p0 $0x0, s1;
	[sflag:s0] =	ssyncset.done @!p0 $0x0  }
0x1c6: {  	[sflag:s0] =	ssyncadd.s32 @!p0 s1  }
0x1c7: {  	[bflag:$0x3] =	sbarrier.arrive $0xFFFF  }
0x1c8: {  	_ =	shalt  }

</sc_bundles>
